<compile_context>
chip_gen: v7x
topology: tpu7x:2x2x1
jax: 0.10.2.dev20260603
libtpu: 0.0.44.dev20260713+nightly
codegen_flags: <defaults>
</compile_context>

<pallas_src>
import functools

import jax
import jax.numpy as jnp
from jax import lax
from jax.experimental import pallas as pl
from jax.experimental.pallas import tpu as pltpu
from jax.experimental.pallas import tpu_sc as plsc

N = 10000
NP = 10240
E = 320000
F = 128
NG = 64
PFLAT = NG * NP
TECN = NP // 16


def _rsqrt_newton(d):
    i = lax.bitcast_convert_type(d, jnp.int32)
    i = 0x5F3759DF - lax.shift_right_logical(i, 1)
    y = lax.bitcast_convert_type(i, jnp.float32)
    for _ in range(3):
        y = y * (1.5 - 0.5 * d * y * y)
    return y


def _mk_edge_stats():
    mesh = plsc.VectorSubcoreMesh(core_axis_name="c", subcore_axis_name="s")

    @functools.partial(
        pl.kernel,
        mesh=mesh,
        compiler_params=pltpu.CompilerParams(needs_layout_passes=False),
        out_type=[
            jax.ShapeDtypeStruct((2 * NP,), jnp.float32),
            jax.ShapeDtypeStruct((2 * PFLAT,), jnp.float32),
        ],
        scratch_types=[
            pltpu.VMEM((E // 32,), jnp.int32),
            pltpu.VMEM((E // 32,), jnp.int32),
            pltpu.VMEM((E // 32,), jnp.float32),
            pltpu.VMEM((E // 32,), jnp.int32),
            pltpu.VMEM((E // 32,), jnp.int32),
            pltpu.VMEM((NP,), jnp.int32),
            pltpu.VMEM((NP,), jnp.float32),
            pltpu.VMEM((2560,), jnp.float32),
            pltpu.SemaphoreType.DMA,
            pltpu.SemaphoreType.DMA,
            pltpu.SemaphoreType.DMA,
            pltpu.VMEM_SHARED((NP,), jnp.float32),
            pltpu.VMEM_SHARED((PFLAT,), jnp.float32),
        ],
    )
    def kern(eif, batch, dinv_out, p_out,
             src_sf, dst_sf, val_sf, flat_sf, dst2_sf,
             batch_tbl, dinv_tbl, zbuf, sm0, sm1, sm2, deg_sh, p_sh):
        cid = lax.axis_index("c")
        sid = lax.axis_index("s")
        wid = cid * 16 + sid
        z16 = jnp.zeros((16,), jnp.float32)
        o16 = jnp.ones((16,), jnp.float32)
        ENRM = E // 32

        h0 = pltpu.async_copy(
            eif.at[pl.ds(E + sid * 2 * ENRM, ENRM)], dst_sf, sm0)
        h1 = pltpu.async_copy(
            eif.at[pl.ds(E + sid * 2 * ENRM + ENRM, ENRM)], dst2_sf, sm1)
        h2 = pltpu.async_copy(eif.at[pl.ds(wid * ENRM, ENRM)], src_sf, sm2)

        def zb(i, _):
            zbuf[pl.ds(i * 16, 16)] = z16
            return ()
        lax.fori_loop(0, 160, zb, ())

        def ob(i, _):
            val_sf[pl.ds(i * 16, 16)] = o16
            return ()
        lax.fori_loop(0, ENRM // 16, ob, ())

        pltpu.sync_copy(batch, batch_tbl)
        pltpu.sync_copy(zbuf.at[pl.ds(0, TECN)],
                        deg_sh.at[pl.ds(sid * TECN, TECN)])
        for q in range(16):
            pltpu.sync_copy(zbuf, p_sh.at[pl.ds(sid * 16 * 2560 + q * 2560, 2560)])
        plsc.subcore_barrier()

        h0.wait()
        pltpu.sync_copy(val_sf, deg_sh.at[dst_sf], add=True)
        h1.wait()
        h3 = pltpu.async_copy(eif.at[pl.ds(E + wid * ENRM, ENRM)], dst_sf, sm0)
        pltpu.sync_copy(val_sf, deg_sh.at[dst2_sf], add=True)
        plsc.subcore_barrier()

        pltpu.sync_copy(deg_sh, dinv_tbl)

        def dinv_body(i, _):
            d = dinv_tbl[pl.ds(i * 16, 16)] + 1.0
            dinv_tbl[pl.ds(i * 16, 16)] = _rsqrt_newton(d)
            return ()
        lax.fori_loop(0, NP // 16, dinv_body, ())

        def d1_body(i, _):
            zbuf[pl.ds(i * 16, 16)] = dinv_tbl[pl.ds(sid * TECN + i * 16, 16)]
            return ()
        lax.fori_loop(0, TECN // 16, d1_body, ())
        pltpu.sync_copy(zbuf.at[pl.ds(0, TECN)],
                        dinv_out.at[pl.ds(cid * NP + sid * TECN, TECN)])

        h2.wait()
        h3.wait()

        def per_g(g, _):
            sl16 = pl.ds(g * 16, 16)
            sv = src_sf[sl16]
            dv = dst_sf[sl16]
            b = plsc.load_gather(dinv_tbl, [dv])
            bb = plsc.load_gather(batch_tbl, [dv])
            val_sf[sl16] = b
            flat_sf[sl16] = bb * NP + sv
            return ()
        lax.fori_loop(0, ENRM // 16, per_g, ())
        pltpu.sync_copy(val_sf, p_sh.at[flat_sf], add=True)
        plsc.subcore_barrier()

        for q in range(16):
            off = sid * 16 * 2560 + q * 2560
            pltpu.sync_copy(p_sh.at[pl.ds(off, 2560)],
                            p_out.at[pl.ds(cid * PFLAT + off, 2560)])

    return kern


def _mk_aggregate():
    mesh = plsc.VectorSubcoreMesh(core_axis_name="c", subcore_axis_name="s")

    @functools.partial(
        pl.kernel,
        mesh=mesh,
        compiler_params=pltpu.CompilerParams(needs_layout_passes=False),
        out_type=jax.ShapeDtypeStruct((2 * NP, F), jnp.float32),
        scratch_types=[
            pltpu.VMEM((E // 32,), jnp.int32),
            pltpu.VMEM((E // 32,), jnp.int32),
            pltpu.VMEM((80, F), jnp.float32),
            pltpu.VMEM((80, F), jnp.float32),
            pltpu.SemaphoreType.DMA,
            pltpu.SemaphoreType.DMA,
            pltpu.VMEM_SHARED((NP, F), jnp.float32),
        ],
    )
    def kern(eif, gs_in, e_out,
             src_sf, dst_sf, rows, rows1,
             gs0, gs1, acc_sh):
        cid = lax.axis_index("c")
        sid = lax.axis_index("s")
        wid = cid * 16 + sid
        z16 = jnp.zeros((16,), jnp.float32)
        EAGG = E // 32
        SUBC = 80
        NK = EAGG // SUBC

        def zr(r, _):
            def zri(t, _):
                rows[r, pl.ds(t * 16, 16)] = z16
                return ()
            return lax.fori_loop(0, 8, zri, ())
        lax.fori_loop(0, SUBC, zr, ())
        for q in range(TECN // SUBC):
            pltpu.sync_copy(
                rows, acc_sh.at[pl.ds(sid * TECN + q * SUBC, SUBC), :])
        plsc.subcore_barrier()

        pltpu.sync_copy(eif.at[pl.ds(wid * EAGG, EAGG)], src_sf)
        pltpu.sync_copy(eif.at[pl.ds(E + wid * EAGG, EAGG)], dst_sf)

        def drain(buf, sem):
            pltpu.make_async_copy(gs_in.at[pl.ds(0, SUBC), :], buf, sem).wait()

        pltpu.async_copy(gs_in.at[src_sf.at[pl.ds(0, SUBC)]], rows, gs0)

        def body2(j, _):
            k0 = j * 2
            pltpu.async_copy(
                gs_in.at[src_sf.at[pl.ds((k0 + 1) * SUBC, SUBC)]], rows1, gs1)
            drain(rows, gs0)
            pltpu.sync_copy(rows, acc_sh.at[dst_sf.at[pl.ds(k0 * SUBC, SUBC)]],
                            add=True)

            @pl.when(k0 + 2 < NK)
            def _():
                pltpu.async_copy(
                    gs_in.at[src_sf.at[pl.ds((k0 + 2) * SUBC, SUBC)]],
                    rows, gs0)
            drain(rows1, gs1)
            pltpu.sync_copy(rows1,
                            acc_sh.at[dst_sf.at[pl.ds((k0 + 1) * SUBC, SUBC)]],
                            add=True)
            return ()
        lax.fori_loop(0, (NK - 1) // 2, body2, ())
        drain(rows, gs0)
        pltpu.sync_copy(rows, acc_sh.at[dst_sf.at[pl.ds((NK - 1) * SUBC, SUBC)]],
                        add=True)
        plsc.subcore_barrier()

        pltpu.sync_copy(acc_sh.at[pl.ds(sid * TECN, TECN), :],
                        e_out.at[pl.ds(cid * NP + sid * TECN, TECN), :])

    return kern


def _xw_body(x_ref, w_ref, d1_ref, o_ref):
    o_ref[...] = d1_ref[...] * jnp.dot(x_ref[...], w_ref[...],
                                       preferred_element_type=jnp.float32)


def _mk_xw():
    return pl.pallas_call(
        _xw_body,
        grid=(NP // 1024,),
        in_specs=[
            pl.BlockSpec((1024, F), lambda i: (i, 0)),
            pl.BlockSpec((F, F), lambda i: (0, 0)),
            pl.BlockSpec((1024, 1), lambda i: (i, 0)),
        ],
        out_specs=pl.BlockSpec((1024, F), lambda i: (i, 0)),
        out_shape=jax.ShapeDtypeStruct((NP, F), jnp.float32),
    )


def _final_body(gs_ref, e_ref, d1_ref, bt_ref, p_ref, b1_ref, w2_ref, b2_ref,
                o_ref, accp, accs, accc):
    i = pl.program_id(0)

    @pl.when(i == 0)
    def _():
        accp[...] = jnp.zeros_like(accp)
        accs[...] = jnp.zeros_like(accs)
        accc[...] = jnp.zeros_like(accc)

    gsb = gs_ref[...]
    eb = e_ref[0] + e_ref[1]
    d1 = d1_ref[...]
    hb = jax.nn.relu(d1 * (gsb + eb) + b1_ref[...])
    pb = p_ref[0] + p_ref[1]
    msel = (lax.broadcasted_iota(jnp.int32, (1024, NG), 1)
            == bt_ref[...]).astype(jnp.float32)
    dn = (((0,), (0,)), ((), ()))
    dh = d1 * hb
    accp[...] += jnp.dot(pb, dh, preferred_element_type=jnp.float32)
    accs[...] += lax.dot_general(msel, d1 * dh, dn,
                                 preferred_element_type=jnp.float32)
    accc[...] += lax.dot_general(msel, jnp.ones((1024, F), jnp.float32), dn,
                                 preferred_element_type=jnp.float32)

    @pl.when(i == NP // 1024 - 1)
    def _():
        pooled = (accp[...] + accs[...]) / jnp.maximum(accc[...], 1.0)
        logits = jnp.dot(pooled, w2_ref[...],
                         preferred_element_type=jnp.float32) + b2_ref[...]
        m = jnp.max(logits, axis=1, keepdims=True)
        s = logits - m
        o_ref[...] = s - jnp.log(jnp.sum(jnp.exp(s), axis=1, keepdims=True))


def _mk_final():
    nb = NP // 1024
    return pl.pallas_call(
        _final_body,
        grid=(nb,),
        in_specs=[
            pl.BlockSpec((1024, F), lambda i: (i, 0)),
            pl.BlockSpec((2, 1024, F), lambda i: (0, i, 0)),
            pl.BlockSpec((1024, 1), lambda i: (i, 0)),
            pl.BlockSpec((1024, 1), lambda i: (i, 0)),
            pl.BlockSpec((2, NG, 1024), lambda i: (0, 0, i)),
            pl.BlockSpec((1, F), lambda i: (0, 0)),
            pl.BlockSpec((F, F), lambda i: (0, 0)),
            pl.BlockSpec((1, F), lambda i: (0, 0)),
        ],
        out_specs=pl.BlockSpec((NG, F), lambda i: (0, 0)),
        out_shape=jax.ShapeDtypeStruct((NG, F), jnp.float32),
        scratch_shapes=[
            pltpu.VMEM((NG, F), jnp.float32),
            pltpu.VMEM((NG, F), jnp.float32),
            pltpu.VMEM((NG, F), jnp.float32),
        ],
    )


_edge_stats = _mk_edge_stats()
_aggregate = _mk_aggregate()
_xw = _mk_xw()
_final = _mk_final()


def kernel(x, edge_index, batch, W1, b1, W2, b2):
    eif = edge_index.reshape(2 * E)
    x_pad = jnp.pad(x, ((0, NP - N), (0, 0)))
    batch_pad = jnp.pad(batch, (0, NP - N), constant_values=NG)

    dinv, p_part = _edge_stats(eif, batch_pad)
    d1col = dinv[:NP][:, None]
    gs = _xw(x_pad, W1, d1col)
    e_part = _aggregate(eif, gs)

    return _final(gs, e_part.reshape(2, NP, F), d1col, batch_pad[:, None],
                  p_part.reshape(2, NG, NP),
                  b1.reshape(1, F), W2, b2.reshape(1, F))

# --- scband reference (transcript-rebuilt; emitter-appended) ---
"""Pipeline reference for scband-gcn-graph-3367254360556 (READ-ONLY COPY).

The authoritative reference and input builder live on the scoring server;
editing this copy changes nothing except your own understanding.
"""

import jax, jax.numpy as jnp
import numpy as np

N_NODES = 10000
N_EDGES = 320000
NFEAT = 128
NHID = 128
NCLASS = 128
NGRAPHS = 64


def setup_inputs(seed: int = 0) -> dict:
    key = jax.random.key(seed)
    k1, k2, k3, k4, k5, k6, k7 = jax.random.split(key, 7)
    x = jax.random.normal(k1, (N_NODES, NFEAT), dtype=jnp.float32)
    edge_index = jax.random.randint(k2, (2, N_EDGES), 0, N_NODES, dtype=jnp.int64 if jax.config.jax_enable_x64 else jnp.int32).astype(jnp.int32)
    batch = jnp.sort(jax.random.randint(k3, (N_NODES,), 0, NGRAPHS).astype(jnp.int32))
    W1 = jax.random.normal(k4, (NFEAT, NHID), dtype=jnp.float32) * 0.05
    b1 = jnp.zeros((NHID,), dtype=jnp.float32)
    W2 = jax.random.normal(k5, (NHID, NCLASS), dtype=jnp.float32) * 0.05
    b2 = jnp.zeros((NCLASS,), dtype=jnp.float32)
    return {"x": x, "edge_index": edge_index, "batch": batch, "W1": W1, "b1": b1, "W2": W2, "b2": b2}


def gcn_conv(x, edge_index, W, b):
    # PyG GCNConv: x' = D^{-1/2} (A + I) D^{-1/2} (X W) + b
    N = x.shape[0]
    h = x @ W
    loop = jnp.arange(N, dtype=edge_index.dtype)
    src = jnp.concatenate([edge_index[0], loop])
    dst = jnp.concatenate([edge_index[1], loop])
    ew = jnp.ones(src.shape[0], dtype=h.dtype)
    deg = jax.ops.segment_sum(ew, dst, num_segments=N)
    dinv = jnp.where(deg > 0, deg ** -0.5, 0.0)
    norm = dinv[src] * dinv[dst]
    msg = h[src] * norm[:, None]
    out = jax.ops.segment_sum(msg, dst, num_segments=N)
    return out + b


def global_mean_pool(h, batch, num_graphs):
    ones = jnp.ones(h.shape[0], dtype=h.dtype)
    cnt = jax.ops.segment_sum(ones, batch, num_segments=num_graphs)
    summ = jax.ops.segment_sum(h, batch, num_segments=num_graphs)
    return summ / jnp.clip(cnt, 1.0)[:, None]


def reference(x, edge_index, batch, W1, b1, W2, b2):
    h = jax.nn.relu(gcn_conv(x, edge_index, W1, b1))
    # dropout is identity in eval mode
    h = gcn_conv(h, edge_index, W2, b2)
    pooled = global_mean_pool(h, batch, NGRAPHS)
    return jax.nn.log_softmax(pooled, axis=1)

if __name__ == "__main__":
    import jax
    _d = setup_inputs()
    print(jax.jit(kernel)(*tuple(_d.values())))

</pallas_src>

<mosaic_0001>
#map = affine_map<(d0, d1) -> (0)>
#map1 = affine_map<(d0, d1) -> (0, 0)>
module attributes {stable_mosaic.version = 14 : i64} {
  func.func @kern(%arg0: i32, %arg1: i32, %arg2: memref<640000xi32, #tpu.memory_space<hbm>>, %arg3: memref<10240x128xf32, #tpu.memory_space<hbm>>, %arg4: memref<20480x128xf32, #tpu.memory_space<hbm>>, %arg5: memref<10000xi32, #tpu.memory_space<vmem>>, %arg6: memref<10000xi32, #tpu.memory_space<vmem>>, %arg7: memref<80x128xf32, #tpu.memory_space<vmem>>, %arg8: memref<80x128xf32, #tpu.memory_space<vmem>>, %arg9: memref<!tpu.dma_semaphore, #tpu.memory_space<semaphore_mem>>, %arg10: memref<!tpu.dma_semaphore, #tpu.memory_space<semaphore_mem>>, %arg11: memref<10240x128xf32, #tpu.memory_space<vmem_shared>>) attributes {dimension_semantics = [#tpu.dimension_semantics<core_parallel>, #tpu.dimension_semantics<subcore_parallel>], iteration_bounds = array<i64: 2, 16>, scalar_prefetch = 0 : i64, scratch_operands = 7 : i64, tpu.core_type = #tpu.core_type<sc_vector_subcore>, window_params = [{transform_indices = #map}, {transform_indices = #map1}, {transform_indices = #map1}]} {
    %mul3A = arith.constant 16 : i32
    %mul3A_0 = arith.muli %arg0, %mul3A : i32
    %add3A = arith.addi %mul3A_0, %arg1 : i32
    %broadcast_in_dim3A = arith.constant 0.000000e+00 : f32
    %broadcast_in_dim3A_1 = vector.broadcast %broadcast_in_dim3A : f32 to vector<16xf32>
    %scan3A = arith.constant 0 : i32
    %scan3A_2 = arith.constant 80 : i32
    %scan3A_3 = arith.addi %scan3A, %scan3A_2 : i32
    %scan3A_4 = arith.constant 1 : i32
    scf.for %scan3A_66 = %scan3A to %scan3A_3 step %scan3A_4  : i32 {
      %scan3A_67 = arith.constant 0 : i32
      %scan3A_68 = arith.constant 8 : i32
      %scan3A_69 = arith.addi %scan3A_67, %scan3A_68 : i32
      %scan3A_70 = arith.constant 1 : i32
      scf.for %scan3A_72 = %scan3A_67 to %scan3A_69 step %scan3A_70  : i32 {
        %mul3A_73 = arith.constant 16 : i32
        %mul3A_74 = arith.muli %scan3A_72, %mul3A_73 : i32
        %swap3A = arith.index_cast %scan3A_66 : i32 to index
        %swap3A_75 = arith.index_cast %mul3A_74 : i32 to index
        %swap3A_76 = tpu.vector_load %arg7[%swap3A, %swap3A_75] {strides = array<i32>} : memref<80x128xf32, #tpu.memory_space<vmem>>, vector<16xf32>,
        tpu.vector_store %arg7[%swap3A, %swap3A_75], %broadcast_in_dim3A_1 {strides = array<i32>} : memref<80x128xf32, #tpu.memory_space<vmem>>, vector<16xf32>,
      }
      %scan3A_71 = arith.constant 8 : i32
    }
    %scan3A_5 = arith.constant 80 : i32
    %mul3A_6 = arith.constant 640 : i32
    %mul3A_7 = arith.muli %arg1, %mul3A_6 : i32
    %add3A_8 = arith.constant 0 : i32
    %add3A_9 = arith.addi %mul3A_7, %add3A_8 : i32
    "tpu.region"() ({
      %run_scoped3A = tpu.sem_alloc : memref<!tpu.dma_semaphore, #tpu.memory_space<semaphore_mem>>
      %dma_start3A_66 = arith.constant 0 : i32
      %dma_start3A_67 = tpu.memref_slice %arg11[%add3A_9, %dma_start3A_66] : memref<10240x128xf32, #tpu.memory_space<vmem_shared>> -> memref<80x128xf32, #tpu.memory_space<vmem_shared>>
      %dma_start3A_68 = arith.constant 0 : i32
      %dma_start3A_69 = tpu.memref_slice %arg11[%add3A_9, %dma_start3A_68] : memref<10240x128xf32, #tpu.memory_space<vmem_shared>> -> memref<80x128xf32, #tpu.memory_space<vmem_shared>>
      tpu.enqueue_dma source(%arg7 : memref<80x128xf32, #tpu.memory_space<vmem>>) target(%dma_start3A_69 : memref<80x128xf32, #tpu.memory_space<vmem_shared>>) target_semaphore(%run_scoped3A : memref<!tpu.dma_semaphore, #tpu.memory_space<semaphore_mem>>)
      %dma_wait3A_70 = arith.constant 0 : i32
      %dma_wait3A_71 = tpu.memref_slice %arg11[%add3A_9, %dma_wait3A_70] : memref<10240x128xf32, #tpu.memory_space<vmem_shared>> -> memref<80x128xf32, #tpu.memory_space<vmem_shared>>
      %dma_wait3A_72 = arith.constant 0 : i32
      %dma_wait3A_73 = tpu.memref_slice %arg11[%add3A_9, %dma_wait3A_72] : memref<10240x128xf32, #tpu.memory_space<vmem_shared>> -> memref<80x128xf32, #tpu.memory_space<vmem_shared>>
      tpu.wait_dma2 semaphore(%run_scoped3A : memref<!tpu.dma_semaphore, #tpu.memory_space<semaphore_mem>>) src(%arg7 : memref<80x128xf32, #tpu.memory_space<vmem>>) dst(%dma_wait3A_73 : memref<80x128xf32, #tpu.memory_space<vmem_shared>>)
      tpu.yield
    }) : () -> ()
    %mul3A_10 = arith.constant 640 : i32
    %mul3A_11 = arith.muli %arg1, %mul3A_10 : i32
    %add3A_12 = arith.constant 80 : i32
    %add3A_13 = arith.addi %mul3A_11, %add3A_12 : i32
    "tpu.region"() ({
      %run_scoped3A = tpu.sem_alloc : memref<!tpu.dma_semaphore, #tpu.memory_space<semaphore_mem>>
      %dma_start3A_66 = arith.constant 0 : i32
      %dma_start3A_67 = tpu.memref_slice %arg11[%add3A_13, %dma_start3A_66] : memref<10240x128xf32, #tpu.memory_space<vmem_shared>> -> memref<80x128xf32, #tpu.memory_space<vmem_shared>>
      %dma_start3A_68 = arith.constant 0 : i32
      %dma_start3A_69 = tpu.memref_slice %arg11[%add3A_13, %dma_start3A_68] : memref<10240x128xf32, #tpu.memory_space<vmem_shared>> -> memref<80x128xf32, #tpu.memory_space<vmem_shared>>
      tpu.enqueue_dma source(%arg7 : memref<80x128xf32, #tpu.memory_space<vmem>>) target(%dma_start3A_69 : memref<80x128xf32, #tpu.memory_space<vmem_shared>>) target_semaphore(%run_scoped3A : memref<!tpu.dma_semaphore, #tpu.memory_space<semaphore_mem>>)
      %dma_wait3A_70 = arith.constant 0 : i32
      %dma_wait3A_71 = tpu.memref_slice %arg11[%add3A_13, %dma_wait3A_70] : memref<10240x128xf32, #tpu.memory_space<vmem_shared>> -> memref<80x128xf32, #tpu.memory_space<vmem_shared>>
      %dma_wait3A_72 = arith.constant 0 : i32
      %dma_wait3A_73 = tpu.memref_slice %arg11[%add3A_13, %dma_wait3A_72] : memref<10240x128xf32, #tpu.memory_space<vmem_shared>> -> memref<80x128xf32, #tpu.memory_space<vmem_shared>>
      tpu.wait_dma2 semaphore(%run_scoped3A : memref<!tpu.dma_semaphore, #tpu.memory_space<semaphore_mem>>) src(%arg7 : memref<80x128xf32, #tpu.memory_space<vmem>>) dst(%dma_wait3A_73 : memref<80x128xf32, #tpu.memory_space<vmem_shared>>)
      tpu.yield
    }) : () -> ()
    %mul3A_14 = arith.constant 640 : i32
    %mul3A_15 = arith.muli %arg1, %mul3A_14 : i32
    %add3A_16 = arith.constant 160 : i32
    %add3A_17 = arith.addi %mul3A_15, %add3A_16 : i32
    "tpu.region"() ({
      %run_scoped3A = tpu.sem_alloc : memref<!tpu.dma_semaphore, #tpu.memory_space<semaphore_mem>>
      %dma_start3A_66 = arith.constant 0 : i32
      %dma_start3A_67 = tpu.memref_slice %arg11[%add3A_17, %dma_start3A_66] : memref<10240x128xf32, #tpu.memory_space<vmem_shared>> -> memref<80x128xf32, #tpu.memory_space<vmem_shared>>
      %dma_start3A_68 = arith.constant 0 : i32
      %dma_start3A_69 = tpu.memref_slice %arg11[%add3A_17, %dma_start3A_68] : memref<10240x128xf32, #tpu.memory_space<vmem_shared>> -> memref<80x128xf32, #tpu.memory_space<vmem_shared>>
      tpu.enqueue_dma source(%arg7 : memref<80x128xf32, #tpu.memory_space<vmem>>) target(%dma_start3A_69 : memref<80x128xf32, #tpu.memory_space<vmem_shared>>) target_semaphore(%run_scoped3A : memref<!tpu.dma_semaphore, #tpu.memory_space<semaphore_mem>>)
      %dma_wait3A_70 = arith.constant 0 : i32
      %dma_wait3A_71 = tpu.memref_slice %arg11[%add3A_17, %dma_wait3A_70] : memref<10240x128xf32, #tpu.memory_space<vmem_shared>> -> memref<80x128xf32, #tpu.memory_space<vmem_shared>>
      %dma_wait3A_72 = arith.constant 0 : i32
      %dma_wait3A_73 = tpu.memref_slice %arg11[%add3A_17, %dma_wait3A_72] : memref<10240x128xf32, #tpu.memory_space<vmem_shared>> -> memref<80x128xf32, #tpu.memory_space<vmem_shared>>
      tpu.wait_dma2 semaphore(%run_scoped3A : memref<!tpu.dma_semaphore, #tpu.memory_space<semaphore_mem>>) src(%arg7 : memref<80x128xf32, #tpu.memory_space<vmem>>) dst(%dma_wait3A_73 : memref<80x128xf32, #tpu.memory_space<vmem_shared>>)
      tpu.yield
    }) : () -> ()
    %mul3A_18 = arith.constant 640 : i32
    %mul3A_19 = arith.muli %arg1, %mul3A_18 : i32
    %add3A_20 = arith.constant 240 : i32
    %add3A_21 = arith.addi %mul3A_19, %add3A_20 : i32
    "tpu.region"() ({
      %run_scoped3A = tpu.sem_alloc : memref<!tpu.dma_semaphore, #tpu.memory_space<semaphore_mem>>
      %dma_start3A_66 = arith.constant 0 : i32
      %dma_start3A_67 = tpu.memref_slice %arg11[%add3A_21, %dma_start3A_66] : memref<10240x128xf32, #tpu.memory_space<vmem_shared>> -> memref<80x128xf32, #tpu.memory_space<vmem_shared>>
      %dma_start3A_68 = arith.constant 0 : i32
      %dma_start3A_69 = tpu.memref_slice %arg11[%add3A_21, %dma_start3A_68] : memref<10240x128xf32, #tpu.memory_space<vmem_shared>> -> memref<80x128xf32, #tpu.memory_space<vmem_shared>>
      tpu.enqueue_dma source(%arg7 : memref<80x128xf32, #tpu.memory_space<vmem>>) target(%dma_start3A_69 : memref<80x128xf32, #tpu.memory_space<vmem_shared>>) target_semaphore(%run_scoped3A : memref<!tpu.dma_semaphore, #tpu.memory_space<semaphore_mem>>)
      %dma_wait3A_70 = arith.constant 0 : i32
      %dma_wait3A_71 = tpu.memref_slice %arg11[%add3A_21, %dma_wait3A_70] : memref<10240x128xf32, #tpu.memory_space<vmem_shared>> -> memref<80x128xf32, #tpu.memory_space<vmem_shared>>
      %dma_wait3A_72 = arith.constant 0 : i32
      %dma_wait3A_73 = tpu.memref_slice %arg11[%add3A_21, %dma_wait3A_72] : memref<10240x128xf32, #tpu.memory_space<vmem_shared>> -> memref<80x128xf32, #tpu.memory_space<vmem_shared>>
      tpu.wait_dma2 semaphore(%run_scoped3A : memref<!tpu.dma_semaphore, #tpu.memory_space<semaphore_mem>>) src(%arg7 : memref<80x128xf32, #tpu.memory_space<vmem>>) dst(%dma_wait3A_73 : memref<80x128xf32, #tpu.memory_space<vmem_shared>>)
      tpu.yield
    }) : () -> ()
    %mul3A_22 = arith.constant 640 : i32
    %mul3A_23 = arith.muli %arg1, %mul3A_22 : i32
    %add3A_24 = arith.constant 320 : i32
    %add3A_25 = arith.addi %mul3A_23, %add3A_24 : i32
    "tpu.region"() ({
      %run_scoped3A = tpu.sem_alloc : memref<!tpu.dma_semaphore, #tpu.memory_space<semaphore_mem>>
      %dma_start3A_66 = arith.constant 0 : i32
      %dma_start3A_67 = tpu.memref_slice %arg11[%add3A_25, %dma_start3A_66] : memref<10240x128xf32, #tpu.memory_space<vmem_shared>> -> memref<80x128xf32, #tpu.memory_space<vmem_shared>>
      %dma_start3A_68 = arith.constant 0 : i32
      %dma_start3A_69 = tpu.memref_slice %arg11[%add3A_25, %dma_start3A_68] : memref<10240x128xf32, #tpu.memory_space<vmem_shared>> -> memref<80x128xf32, #tpu.memory_space<vmem_shared>>
      tpu.enqueue_dma source(%arg7 : memref<80x128xf32, #tpu.memory_space<vmem>>) target(%dma_start3A_69 : memref<80x128xf32, #tpu.memory_space<vmem_shared>>) target_semaphore(%run_scoped3A : memref<!tpu.dma_semaphore, #tpu.memory_space<semaphore_mem>>)
      %dma_wait3A_70 = arith.constant 0 : i32
      %dma_wait3A_71 = tpu.memref_slice %arg11[%add3A_25, %dma_wait3A_70] : memref<10240x128xf32, #tpu.memory_space<vmem_shared>> -> memref<80x128xf32, #tpu.memory_space<vmem_shared>>
      %dma_wait3A_72 = arith.constant 0 : i32
      %dma_wait3A_73 = tpu.memref_slice %arg11[%add3A_25, %dma_wait3A_72] : memref<10240x128xf32, #tpu.memory_space<vmem_shared>> -> memref<80x128xf32, #tpu.memory_space<vmem_shared>>
      tpu.wait_dma2 semaphore(%run_scoped3A : memref<!tpu.dma_semaphore, #tpu.memory_space<semaphore_mem>>) src(%arg7 : memref<80x128xf32, #tpu.memory_space<vmem>>) dst(%dma_wait3A_73 : memref<80x128xf32, #tpu.memory_space<vmem_shared>>)
      tpu.yield
    }) : () -> ()
    %mul3A_26 = arith.constant 640 : i32
    %mul3A_27 = arith.muli %arg1, %mul3A_26 : i32
    %add3A_28 = arith.constant 400 : i32
    %add3A_29 = arith.addi %mul3A_27, %add3A_28 : i32
    "tpu.region"() ({
      %run_scoped3A = tpu.sem_alloc : memref<!tpu.dma_semaphore, #tpu.memory_space<semaphore_mem>>
      %dma_start3A_66 = arith.constant 0 : i32
      %dma_start3A_67 = tpu.memref_slice %arg11[%add3A_29, %dma_start3A_66] : memref<10240x128xf32, #tpu.memory_space<vmem_shared>> -> memref<80x128xf32, #tpu.memory_space<vmem_shared>>
      %dma_start3A_68 = arith.constant 0 : i32
      %dma_start3A_69 = tpu.memref_slice %arg11[%add3A_29, %dma_start3A_68] : memref<10240x128xf32, #tpu.memory_space<vmem_shared>> -> memref<80x128xf32, #tpu.memory_space<vmem_shared>>
      tpu.enqueue_dma source(%arg7 : memref<80x128xf32, #tpu.memory_space<vmem>>) target(%dma_start3A_69 : memref<80x128xf32, #tpu.memory_space<vmem_shared>>) target_semaphore(%run_scoped3A : memref<!tpu.dma_semaphore, #tpu.memory_space<semaphore_mem>>)
      %dma_wait3A_70 = arith.constant 0 : i32
      %dma_wait3A_71 = tpu.memref_slice %arg11[%add3A_29, %dma_wait3A_70] : memref<10240x128xf32, #tpu.memory_space<vmem_shared>> -> memref<80x128xf32, #tpu.memory_space<vmem_shared>>
      %dma_wait3A_72 = arith.constant 0 : i32
      %dma_wait3A_73 = tpu.memref_slice %arg11[%add3A_29, %dma_wait3A_72] : memref<10240x128xf32, #tpu.memory_space<vmem_shared>> -> memref<80x128xf32, #tpu.memory_space<vmem_shared>>
      tpu.wait_dma2 semaphore(%run_scoped3A : memref<!tpu.dma_semaphore, #tpu.memory_space<semaphore_mem>>) src(%arg7 : memref<80x128xf32, #tpu.memory_space<vmem>>) dst(%dma_wait3A_73 : memref<80x128xf32, #tpu.memory_space<vmem_shared>>)
      tpu.yield
    }) : () -> ()
    %mul3A_30 = arith.constant 640 : i32
    %mul3A_31 = arith.muli %arg1, %mul3A_30 : i32
    %add3A_32 = arith.constant 480 : i32
    %add3A_33 = arith.addi %mul3A_31, %add3A_32 : i32
    "tpu.region"() ({
      %run_scoped3A = tpu.sem_alloc : memref<!tpu.dma_semaphore, #tpu.memory_space<semaphore_mem>>
      %dma_start3A_66 = arith.constant 0 : i32
      %dma_start3A_67 = tpu.memref_slice %arg11[%add3A_33, %dma_start3A_66] : memref<10240x128xf32, #tpu.memory_space<vmem_shared>> -> memref<80x128xf32, #tpu.memory_space<vmem_shared>>
      %dma_start3A_68 = arith.constant 0 : i32
      %dma_start3A_69 = tpu.memref_slice %arg11[%add3A_33, %dma_start3A_68] : memref<10240x128xf32, #tpu.memory_space<vmem_shared>> -> memref<80x128xf32, #tpu.memory_space<vmem_shared>>
      tpu.enqueue_dma source(%arg7 : memref<80x128xf32, #tpu.memory_space<vmem>>) target(%dma_start3A_69 : memref<80x128xf32, #tpu.memory_space<vmem_shared>>) target_semaphore(%run_scoped3A : memref<!tpu.dma_semaphore, #tpu.memory_space<semaphore_mem>>)
      %dma_wait3A_70 = arith.constant 0 : i32
      %dma_wait3A_71 = tpu.memref_slice %arg11[%add3A_33, %dma_wait3A_70] : memref<10240x128xf32, #tpu.memory_space<vmem_shared>> -> memref<80x128xf32, #tpu.memory_space<vmem_shared>>
      %dma_wait3A_72 = arith.constant 0 : i32
      %dma_wait3A_73 = tpu.memref_slice %arg11[%add3A_33, %dma_wait3A_72] : memref<10240x128xf32, #tpu.memory_space<vmem_shared>> -> memref<80x128xf32, #tpu.memory_space<vmem_shared>>
      tpu.wait_dma2 semaphore(%run_scoped3A : memref<!tpu.dma_semaphore, #tpu.memory_space<semaphore_mem>>) src(%arg7 : memref<80x128xf32, #tpu.memory_space<vmem>>) dst(%dma_wait3A_73 : memref<80x128xf32, #tpu.memory_space<vmem_shared>>)
      tpu.yield
    }) : () -> ()
    %mul3A_34 = arith.constant 640 : i32
    %mul3A_35 = arith.muli %arg1, %mul3A_34 : i32
    %add3A_36 = arith.constant 560 : i32
    %add3A_37 = arith.addi %mul3A_35, %add3A_36 : i32
    "tpu.region"() ({
      %run_scoped3A = tpu.sem_alloc : memref<!tpu.dma_semaphore, #tpu.memory_space<semaphore_mem>>
      %dma_start3A_66 = arith.constant 0 : i32
      %dma_start3A_67 = tpu.memref_slice %arg11[%add3A_37, %dma_start3A_66] : memref<10240x128xf32, #tpu.memory_space<vmem_shared>> -> memref<80x128xf32, #tpu.memory_space<vmem_shared>>
      %dma_start3A_68 = arith.constant 0 : i32
      %dma_start3A_69 = tpu.memref_slice %arg11[%add3A_37, %dma_start3A_68] : memref<10240x128xf32, #tpu.memory_space<vmem_shared>> -> memref<80x128xf32, #tpu.memory_space<vmem_shared>>
      tpu.enqueue_dma source(%arg7 : memref<80x128xf32, #tpu.memory_space<vmem>>) target(%dma_start3A_69 : memref<80x128xf32, #tpu.memory_space<vmem_shared>>) target_semaphore(%run_scoped3A : memref<!tpu.dma_semaphore, #tpu.memory_space<semaphore_mem>>)
      %dma_wait3A_70 = arith.constant 0 : i32
      %dma_wait3A_71 = tpu.memref_slice %arg11[%add3A_37, %dma_wait3A_70] : memref<10240x128xf32, #tpu.memory_space<vmem_shared>> -> memref<80x128xf32, #tpu.memory_space<vmem_shared>>
      %dma_wait3A_72 = arith.constant 0 : i32
      %dma_wait3A_73 = tpu.memref_slice %arg11[%add3A_37, %dma_wait3A_72] : memref<10240x128xf32, #tpu.memory_space<vmem_shared>> -> memref<80x128xf32, #tpu.memory_space<vmem_shared>>
      tpu.wait_dma2 semaphore(%run_scoped3A : memref<!tpu.dma_semaphore, #tpu.memory_space<semaphore_mem>>) src(%arg7 : memref<80x128xf32, #tpu.memory_space<vmem>>) dst(%dma_wait3A_73 : memref<80x128xf32, #tpu.memory_space<vmem_shared>>)
      tpu.yield
    }) : () -> ()
    %barrier3A = arith.constant 0 : index
    tpu.barrier barrier_id(%barrier3A)
    %mul3A_38 = arith.constant 10000 : i32
    %mul3A_39 = arith.muli %add3A, %mul3A_38 : i32
    "tpu.region"() ({
      %run_scoped3A = tpu.sem_alloc : memref<!tpu.dma_semaphore, #tpu.memory_space<semaphore_mem>>
      %dma_start3A_66 = tpu.memref_slice %arg2[%mul3A_39] : memref<640000xi32, #tpu.memory_space<hbm>> -> memref<10000xi32, #tpu.memory_space<hbm>>
      %dma_start3A_67 = tpu.memref_slice %arg2[%mul3A_39] : memref<640000xi32, #tpu.memory_space<hbm>> -> memref<10000xi32, #tpu.memory_space<hbm>>
      tpu.enqueue_dma source(%dma_start3A_67 : memref<10000xi32, #tpu.memory_space<hbm>>) target(%arg5 : memref<10000xi32, #tpu.memory_space<vmem>>) target_semaphore(%run_scoped3A : memref<!tpu.dma_semaphore, #tpu.memory_space<semaphore_mem>>)
      %dma_wait3A_68 = tpu.memref_slice %arg2[%mul3A_39] : memref<640000xi32, #tpu.memory_space<hbm>> -> memref<10000xi32, #tpu.memory_space<hbm>>
      %dma_wait3A_69 = tpu.memref_slice %arg2[%mul3A_39] : memref<640000xi32, #tpu.memory_space<hbm>> -> memref<10000xi32, #tpu.memory_space<hbm>>
      tpu.wait_dma2 semaphore(%run_scoped3A : memref<!tpu.dma_semaphore, #tpu.memory_space<semaphore_mem>>) src(%dma_wait3A_69 : memref<10000xi32, #tpu.memory_space<hbm>>) dst(%arg5 : memref<10000xi32, #tpu.memory_space<vmem>>)
      tpu.yield
    }) : () -> ()
    %mul3A_40 = arith.constant 10000 : i32
    %mul3A_41 = arith.muli %add3A, %mul3A_40 : i32
    %add3A_42 = arith.constant 320000 : i32
    %add3A_43 = arith.addi %add3A_42, %mul3A_41 : i32
    "tpu.region"() ({
      %run_scoped3A = tpu.sem_alloc : memref<!tpu.dma_semaphore, #tpu.memory_space<semaphore_mem>>
      %dma_start3A_66 = tpu.memref_slice %arg2[%add3A_43] : memref<640000xi32, #tpu.memory_space<hbm>> -> memref<10000xi32, #tpu.memory_space<hbm>>
      %dma_start3A_67 = tpu.memref_slice %arg2[%add3A_43] : memref<640000xi32, #tpu.memory_space<hbm>> -> memref<10000xi32, #tpu.memory_space<hbm>>
      tpu.enqueue_dma source(%dma_start3A_67 : memref<10000xi32, #tpu.memory_space<hbm>>) target(%arg6 : memref<10000xi32, #tpu.memory_space<vmem>>) target_semaphore(%run_scoped3A : memref<!tpu.dma_semaphore, #tpu.memory_space<semaphore_mem>>)
      %dma_wait3A_68 = tpu.memref_slice %arg2[%add3A_43] : memref<640000xi32, #tpu.memory_space<hbm>> -> memref<10000xi32, #tpu.memory_space<hbm>>
      %dma_wait3A_69 = tpu.memref_slice %arg2[%add3A_43] : memref<640000xi32, #tpu.memory_space<hbm>> -> memref<10000xi32, #tpu.memory_space<hbm>>
      tpu.wait_dma2 semaphore(%run_scoped3A : memref<!tpu.dma_semaphore, #tpu.memory_space<semaphore_mem>>) src(%dma_wait3A_69 : memref<10000xi32, #tpu.memory_space<hbm>>) dst(%arg6 : memref<10000xi32, #tpu.memory_space<vmem>>)
      tpu.yield
    }) : () -> ()
    %dma_start3A = arith.constant 0 : i32
    %dma_start3A_44 = tpu.memref_slice %arg5[%dma_start3A] : memref<10000xi32, #tpu.memory_space<vmem>> -> memref<80xi32, #tpu.memory_space<vmem>>
    %dma_start3A_45 = arith.constant 0 : i32
    %dma_start3A_46 = arith.constant 0 : i32
    %dma_start3A_47 = tpu.memref_slice %arg3[%dma_start3A_45, %dma_start3A_46] : memref<10240x128xf32, #tpu.memory_space<hbm>> -> memref<10240x128xf32, #tpu.memory_space<hbm>>
    tpu.enqueue_indirect_dma source(%dma_start3A_47 : memref<10240x128xf32, #tpu.memory_space<hbm>>) target(%arg7 : memref<80x128xf32, #tpu.memory_space<vmem>>) offsets(%dma_start3A_44 : memref<80xi32, #tpu.memory_space<vmem>>) semaphore(%arg9 : memref<!tpu.dma_semaphore, #tpu.memory_space<semaphore_mem>>)
    %scan3A_48 = arith.constant 0 : i32
    %scan3A_49 = arith.constant 62 : i32
    %scan3A_50 = arith.addi %scan3A_48, %scan3A_49 : i32
    %scan3A_51 = arith.constant 1 : i32
    scf.for %scan3A_66 = %scan3A_48 to %scan3A_50 step %scan3A_51  : i32 {
      %mul3A_67 = arith.constant 2 : i32
      %mul3A_68 = arith.muli %scan3A_66, %mul3A_67 : i32
      %add3A_69 = arith.constant 1 : i32
      %add3A_70 = arith.addi %mul3A_68, %add3A_69 : i32
      %mul3A_71 = arith.constant 80 : i32
      %mul3A_72 = arith.muli %add3A_70, %mul3A_71 : i32
      %dma_start3A_73 = tpu.memref_slice %arg5[%mul3A_72] : memref<10000xi32, #tpu.memory_space<vmem>> -> memref<80xi32, #tpu.memory_space<vmem>>
      %dma_start3A_74 = arith.constant 0 : i32
      %dma_start3A_75 = arith.constant 0 : i32
      %dma_start3A_76 = tpu.memref_slice %arg3[%dma_start3A_74, %dma_start3A_75] : memref<10240x128xf32, #tpu.memory_space<hbm>> -> memref<10240x128xf32, #tpu.memory_space<hbm>>
      tpu.enqueue_indirect_dma source(%dma_start3A_76 : memref<10240x128xf32, #tpu.memory_space<hbm>>) target(%arg8 : memref<80x128xf32, #tpu.memory_space<vmem>>) offsets(%dma_start3A_73 : memref<80xi32, #tpu.memory_space<vmem>>) semaphore(%arg10 : memref<!tpu.dma_semaphore, #tpu.memory_space<semaphore_mem>>)
      %dma_wait3A_77 = arith.constant 0 : i32
      %dma_wait3A_78 = arith.constant 0 : i32
      %dma_wait3A_79 = tpu.memref_slice %arg3[%dma_wait3A_77, %dma_wait3A_78] : memref<10240x128xf32, #tpu.memory_space<hbm>> -> memref<80x128xf32, #tpu.memory_space<hbm>>
      %dma_wait3A_80 = arith.constant 0 : i32
      %dma_wait3A_81 = arith.constant 0 : i32
      %dma_wait3A_82 = tpu.memref_slice %arg3[%dma_wait3A_80, %dma_wait3A_81] : memref<10240x128xf32, #tpu.memory_space<hbm>> -> memref<80x128xf32, #tpu.memory_space<hbm>>
      tpu.wait_dma2 semaphore(%arg9 : memref<!tpu.dma_semaphore, #tpu.memory_space<semaphore_mem>>) src(%dma_wait3A_82 : memref<80x128xf32, #tpu.memory_space<hbm>>) dst(%arg7 : memref<80x128xf32, #tpu.memory_space<vmem>>)
      %mul3A_83 = arith.constant 80 : i32
      %mul3A_84 = arith.muli %mul3A_68, %mul3A_83 : i32
      "tpu.region"() ({
        %run_scoped3A = tpu.sem_alloc : memref<!tpu.dma_semaphore, #tpu.memory_space<semaphore_mem>>
        %dma_start3A_99 = tpu.memref_slice %arg6[%mul3A_84] : memref<10000xi32, #tpu.memory_space<vmem>> -> memref<80xi32, #tpu.memory_space<vmem>>
        %dma_start3A_100 = arith.constant 0 : i32
        %dma_start3A_101 = arith.constant 0 : i32
        %dma_start3A_102 = tpu.memref_slice %arg11[%dma_start3A_100, %dma_start3A_101] : memref<10240x128xf32, #tpu.memory_space<vmem_shared>> -> memref<10240x128xf32, #tpu.memory_space<vmem_shared>>
        tpu.enqueue_indirect_dma source(%arg7 : memref<80x128xf32, #tpu.memory_space<vmem>>) target(%dma_start3A_102 : memref<10240x128xf32, #tpu.memory_space<vmem_shared>>) offsets(%dma_start3A_99 : memref<80xi32, #tpu.memory_space<vmem>>) semaphore(%run_scoped3A : memref<!tpu.dma_semaphore, #tpu.memory_space<semaphore_mem>>) {add = true}
        %dma_wait3A_103 = tpu.memref_slice %arg6[%mul3A_84] : memref<10000xi32, #tpu.memory_space<vmem>> -> memref<80xi32, #tpu.memory_space<vmem>>
        %dma_wait3A_104 = arith.constant 0 : i32
        %dma_wait3A_105 = arith.constant 0 : i32
        %dma_wait3A_106 = tpu.memref_slice %arg11[%dma_wait3A_104, %dma_wait3A_105] : memref<10240x128xf32, #tpu.memory_space<vmem_shared>> -> memref<10240x128xf32, #tpu.memory_space<vmem_shared>>
        tpu.wait_indirect_dma semaphore(%run_scoped3A : memref<!tpu.dma_semaphore, #tpu.memory_space<semaphore_mem>>) src(%arg7 : memref<80x128xf32, #tpu.memory_space<vmem>>) dst(%dma_wait3A_106 : memref<10240x128xf32, #tpu.memory_space<vmem_shared>>)
        tpu.yield
      }) : () -> ()
      %add3A_85 = arith.constant 2 : i32
      %add3A_86 = arith.addi %mul3A_68, %add3A_85 : i32
      %lt3A = arith.constant 125 : i32
      %lt3A_87 = arith.cmpi slt, %add3A_86, %lt3A : i32
      %convert_element_type3A = arith.extui %lt3A_87 : i1 to i32
      %cond3A = arith.constant 0 : i32
      %cond3A_88 = arith.cmpi ne, %convert_element_type3A, %cond3A : i32
      scf.if %cond3A_88 {
        %add3A_99 = arith.constant 2 : i32
        %add3A_100 = arith.addi %mul3A_68, %add3A_99 : i32
        %mul3A_101 = arith.constant 80 : i32
        %mul3A_102 = arith.muli %add3A_100, %mul3A_101 : i32
        %dma_start3A_103 = tpu.memref_slice %arg5[%mul3A_102] : memref<10000xi32, #tpu.memory_space<vmem>> -> memref<80xi32, #tpu.memory_space<vmem>>
        %dma_start3A_104 = arith.constant 0 : i32
        %dma_start3A_105 = arith.constant 0 : i32
        %dma_start3A_106 = tpu.memref_slice %arg3[%dma_start3A_104, %dma_start3A_105] : memref<10240x128xf32, #tpu.memory_space<hbm>> -> memref<10240x128xf32, #tpu.memory_space<hbm>>
        tpu.enqueue_indirect_dma source(%dma_start3A_106 : memref<10240x128xf32, #tpu.memory_space<hbm>>) target(%arg7 : memref<80x128xf32, #tpu.memory_space<vmem>>) offsets(%dma_start3A_103 : memref<80xi32, #tpu.memory_space<vmem>>) semaphore(%arg9 : memref<!tpu.dma_semaphore, #tpu.memory_space<semaphore_mem>>)
      } else {
      }
      %dma_wait3A_89 = arith.constant 0 : i32
      %dma_wait3A_90 = arith.constant 0 : i32
      %dma_wait3A_91 = tpu.memref_slice %arg3[%dma_wait3A_89, %dma_wait3A_90] : memref<10240x128xf32, #tpu.memory_space<hbm>> -> memref<80x128xf32, #tpu.memory_space<hbm>>
      %dma_wait3A_92 = arith.constant 0 : i32
      %dma_wait3A_93 = arith.constant 0 : i32
      %dma_wait3A_94 = tpu.memref_slice %arg3[%dma_wait3A_92, %dma_wait3A_93] : memref<10240x128xf32, #tpu.memory_space<hbm>> -> memref<80x128xf32, #tpu.memory_space<hbm>>
      tpu.wait_dma2 semaphore(%arg10 : memref<!tpu.dma_semaphore, #tpu.memory_space<semaphore_mem>>) src(%dma_wait3A_94 : memref<80x128xf32, #tpu.memory_space<hbm>>) dst(%arg8 : memref<80x128xf32, #tpu.memory_space<vmem>>)
      %add3A_95 = arith.constant 1 : i32
      %add3A_96 = arith.addi %mul3A_68, %add3A_95 : i32
      %mul3A_97 = arith.constant 80 : i32
      %mul3A_98 = arith.muli %add3A_96, %mul3A_97 : i32
      "tpu.region"() ({
        %run_scoped3A = tpu.sem_alloc : memref<!tpu.dma_semaphore, #tpu.memory_space<semaphore_mem>>
        %dma_start3A_99 = tpu.memref_slice %arg6[%mul3A_98] : memref<10000xi32, #tpu.memory_space<vmem>> -> memref<80xi32, #tpu.memory_space<vmem>>
        %dma_start3A_100 = arith.constant 0 : i32
        %dma_start3A_101 = arith.constant 0 : i32
        %dma_start3A_102 = tpu.memref_slice %arg11[%dma_start3A_100, %dma_start3A_101] : memref<10240x128xf32, #tpu.memory_space<vmem_shared>> -> memref<10240x128xf32, #tpu.memory_space<vmem_shared>>
        tpu.enqueue_indirect_dma source(%arg8 : memref<80x128xf32, #tpu.memory_space<vmem>>) target(%dma_start3A_102 : memref<10240x128xf32, #tpu.memory_space<vmem_shared>>) offsets(%dma_start3A_99 : memref<80xi32, #tpu.memory_space<vmem>>) semaphore(%run_scoped3A : memref<!tpu.dma_semaphore, #tpu.memory_space<semaphore_mem>>) {add = true}
        %dma_wait3A_103 = tpu.memref_slice %arg6[%mul3A_98] : memref<10000xi32, #tpu.memory_space<vmem>> -> memref<80xi32, #tpu.memory_space<vmem>>
        %dma_wait3A_104 = arith.constant 0 : i32
        %dma_wait3A_105 = arith.constant 0 : i32
        %dma_wait3A_106 = tpu.memref_slice %arg11[%dma_wait3A_104, %dma_wait3A_105] : memref<10240x128xf32, #tpu.memory_space<vmem_shared>> -> memref<10240x128xf32, #tpu.memory_space<vmem_shared>>
        tpu.wait_indirect_dma semaphore(%run_scoped3A : memref<!tpu.dma_semaphore, #tpu.memory_space<semaphore_mem>>) src(%arg8 : memref<80x128xf32, #tpu.memory_space<vmem>>) dst(%dma_wait3A_106 : memref<10240x128xf32, #tpu.memory_space<vmem_shared>>)
        tpu.yield
      }) : () -> ()
    }
    %scan3A_52 = arith.constant 62 : i32
    %dma_wait3A = arith.constant 0 : i32
    %dma_wait3A_53 = arith.constant 0 : i32
    %dma_wait3A_54 = tpu.memref_slice %arg3[%dma_wait3A, %dma_wait3A_53] : memref<10240x128xf32, #tpu.memory_space<hbm>> -> memref<80x128xf32, #tpu.memory_space<hbm>>
    %dma_wait3A_55 = arith.constant 0 : i32
    %dma_wait3A_56 = arith.constant 0 : i32
    %dma_wait3A_57 = tpu.memref_slice %arg3[%dma_wait3A_55, %dma_wait3A_56] : memref<10240x128xf32, #tpu.memory_space<hbm>> -> memref<80x128xf32, #tpu.memory_space<hbm>>
    tpu.wait_dma2 semaphore(%arg9 : memref<!tpu.dma_semaphore, #tpu.memory_space<semaphore_mem>>) src(%dma_wait3A_57 : memref<80x128xf32, #tpu.memory_space<hbm>>) dst(%arg7 : memref<80x128xf32, #tpu.memory_space<vmem>>)
    "tpu.region"() ({
      %run_scoped3A = tpu.sem_alloc : memref<!tpu.dma_semaphore, #tpu.memory_space<semaphore_mem>>
      %dma_start3A_66 = arith.constant 9920 : i32
      %dma_start3A_67 = tpu.memref_slice %arg6[%dma_start3A_66] : memref<10000xi32, #tpu.memory_space<vmem>> -> memref<80xi32, #tpu.memory_space<vmem>>
      %dma_start3A_68 = arith.constant 0 : i32
      %dma_start3A_69 = arith.constant 0 : i32
      %dma_start3A_70 = tpu.memref_slice %arg11[%dma_start3A_68, %dma_start3A_69] : memref<10240x128xf32, #tpu.memory_space<vmem_shared>> -> memref<10240x128xf32, #tpu.memory_space<vmem_shared>>
      tpu.enqueue_indirect_dma source(%arg7 : memref<80x128xf32, #tpu.memory_space<vmem>>) target(%dma_start3A_70 : memref<10240x128xf32, #tpu.memory_space<vmem_shared>>) offsets(%dma_start3A_67 : memref<80xi32, #tpu.memory_space<vmem>>) semaphore(%run_scoped3A : memref<!tpu.dma_semaphore, #tpu.memory_space<semaphore_mem>>) {add = true}
      %dma_wait3A_71 = arith.constant 9920 : i32
      %dma_wait3A_72 = tpu.memref_slice %arg6[%dma_wait3A_71] : memref<10000xi32, #tpu.memory_space<vmem>> -> memref<80xi32, #tpu.memory_space<vmem>>
      %dma_wait3A_73 = arith.constant 0 : i32
      %dma_wait3A_74 = arith.constant 0 : i32
      %dma_wait3A_75 = tpu.memref_slice %arg11[%dma_wait3A_73, %dma_wait3A_74] : memref<10240x128xf32, #tpu.memory_space<vmem_shared>> -> memref<10240x128xf32, #tpu.memory_space<vmem_shared>>
      tpu.wait_indirect_dma semaphore(%run_scoped3A : memref<!tpu.dma_semaphore, #tpu.memory_space<semaphore_mem>>) src(%arg7 : memref<80x128xf32, #tpu.memory_space<vmem>>) dst(%dma_wait3A_75 : memref<10240x128xf32, #tpu.memory_space<vmem_shared>>)
      tpu.yield
    }) : () -> ()
    %barrier3A_58 = arith.constant 0 : index
    tpu.barrier barrier_id(%barrier3A_58)
    %mul3A_59 = arith.constant 640 : i32
    %mul3A_60 = arith.muli %arg1, %mul3A_59 : i32
    %mul3A_61 = arith.constant 10240 : i32
    %mul3A_62 = arith.muli %arg0, %mul3A_61 : i32
    %mul3A_63 = arith.constant 640 : i32
    %mul3A_64 = arith.muli %arg1, %mul3A_63 : i32
    %add3A_65 = arith.addi %mul3A_62, %mul3A_64 : i32
    "tpu.region"() ({
      %run_scoped3A = tpu.sem_alloc : memref<!tpu.dma_semaphore, #tpu.memory_space<semaphore_mem>>
      %dma_start3A_66 = arith.constant 0 : i32
      %dma_start3A_67 = tpu.memref_slice %arg4[%add3A_65, %dma_start3A_66] : memref<20480x128xf32, #tpu.memory_space<hbm>> -> memref<640x128xf32, #tpu.memory_space<hbm>>
      %dma_start3A_68 = arith.constant 0 : i32
      %dma_start3A_69 = tpu.memref_slice %arg11[%mul3A_60, %dma_start3A_68] : memref<10240x128xf32, #tpu.memory_space<vmem_shared>> -> memref<640x128xf32, #tpu.memory_space<vmem_shared>>
      tpu.enqueue_dma source(%dma_start3A_69 : memref<640x128xf32, #tpu.memory_space<vmem_shared>>) target(%dma_start3A_67 : memref<640x128xf32, #tpu.memory_space<hbm>>) target_semaphore(%run_scoped3A : memref<!tpu.dma_semaphore, #tpu.memory_space<semaphore_mem>>)
      %dma_wait3A_70 = arith.constant 0 : i32
      %dma_wait3A_71 = tpu.memref_slice %arg4[%add3A_65, %dma_wait3A_70] : memref<20480x128xf32, #tpu.memory_space<hbm>> -> memref<640x128xf32, #tpu.memory_space<hbm>>
      %dma_wait3A_72 = arith.constant 0 : i32
      %dma_wait3A_73 = tpu.memref_slice %arg11[%mul3A_60, %dma_wait3A_72] : memref<10240x128xf32, #tpu.memory_space<vmem_shared>> -> memref<640x128xf32, #tpu.memory_space<vmem_shared>>
      tpu.wait_dma2 semaphore(%run_scoped3A : memref<!tpu.dma_semaphore, #tpu.memory_space<semaphore_mem>>) src(%dma_wait3A_73 : memref<640x128xf32, #tpu.memory_space<vmem_shared>>) dst(%dma_wait3A_71 : memref<640x128xf32, #tpu.memory_space<hbm>>)
      tpu.yield
    }) : () -> ()
    return
  }
}

#map = affine_map<(d0, d1) -> (0)>
module attributes {stable_mosaic.version = 14 : i64} {
  func.func @kern(%arg0: i32, %arg1: i32, %arg2: memref<640000xi32, #tpu.memory_space<hbm>>, %arg3: memref<10240xi32, #tpu.memory_space<hbm>>, %arg4: memref<20480xf32, #tpu.memory_space<hbm>>, %arg5: memref<1310720xf32, #tpu.memory_space<hbm>>, %arg6: memref<10000xi32, #tpu.memory_space<vmem>>, %arg7: memref<10000xi32, #tpu.memory_space<vmem>>, %arg8: memref<10000xf32, #tpu.memory_space<vmem>>, %arg9: memref<10000xi32, #tpu.memory_space<vmem>>, %arg10: memref<10000xi32, #tpu.memory_space<vmem>>, %arg11: memref<10240xi32, #tpu.memory_space<vmem>>, %arg12: memref<10240xf32, #tpu.memory_space<vmem>>, %arg13: memref<2560xf32, #tpu.memory_space<vmem>>, %arg14: memref<!tpu.dma_semaphore, #tpu.memory_space<semaphore_mem>>, %arg15: memref<!tpu.dma_semaphore, #tpu.memory_space<semaphore_mem>>, %arg16: memref<!tpu.dma_semaphore, #tpu.memory_space<semaphore_mem>>, %arg17: memref<10240xf32, #tpu.memory_space<vmem_shared>>, %arg18: memref<655360xf32, #tpu.memory_space<vmem_shared>>) attributes {dimension_semantics = [#tpu.dimension_semantics<core_parallel>, #tpu.dimension_semantics<subcore_parallel>], iteration_bounds = array<i64: 2, 16>, scalar_prefetch = 0 : i64, scratch_operands = 13 : i64, tpu.core_type = #tpu.core_type<sc_vector_subcore>, window_params = [{transform_indices = #map}, {transform_indices = #map}, {transform_indices = #map}, {transform_indices = #map}]} {
    %mul3A = arith.constant 16 : i32
    %mul3A_0 = arith.muli %arg0, %mul3A : i32
    %add3A = arith.addi %mul3A_0, %arg1 : i32
    %broadcast_in_dim3A = arith.constant 0.000000e+00 : f32
    %broadcast_in_dim3A_1 = vector.broadcast %broadcast_in_dim3A : f32 to vector<16xf32>
    %broadcast_in_dim3A_2 = arith.constant 1.000000e+00 : f32
    %broadcast_in_dim3A_3 = vector.broadcast %broadcast_in_dim3A_2 : f32 to vector<16xf32>
    %mul3A_4 = arith.constant 2 : i32
    %mul3A_5 = arith.muli %arg1, %mul3A_4 : i32
    %mul3A_6 = arith.constant 10000 : i32
    %mul3A_7 = arith.muli %mul3A_5, %mul3A_6 : i32
    %add3A_8 = arith.constant 320000 : i32
    %add3A_9 = arith.addi %add3A_8, %mul3A_7 : i32
    %dma_start3A = tpu.memref_slice %arg2[%add3A_9] : memref<640000xi32, #tpu.memory_space<hbm>> -> memref<10000xi32, #tpu.memory_space<hbm>>
    %dma_start3A_10 = tpu.memref_slice %arg2[%add3A_9] : memref<640000xi32, #tpu.memory_space<hbm>> -> memref<10000xi32, #tpu.memory_space<hbm>>
    tpu.enqueue_dma source(%dma_start3A_10 : memref<10000xi32, #tpu.memory_space<hbm>>) target(%arg7 : memref<10000xi32, #tpu.memory_space<vmem>>) target_semaphore(%arg14 : memref<!tpu.dma_semaphore, #tpu.memory_space<semaphore_mem>>)
    %mul3A_11 = arith.constant 2 : i32
    %mul3A_12 = arith.muli %arg1, %mul3A_11 : i32
    %mul3A_13 = arith.constant 10000 : i32
    %mul3A_14 = arith.muli %mul3A_12, %mul3A_13 : i32
    %add3A_15 = arith.constant 320000 : i32
    %add3A_16 = arith.addi %add3A_15, %mul3A_14 : i32
    %add3A_17 = arith.constant 10000 : i32
    %add3A_18 = arith.addi %add3A_16, %add3A_17 : i32
    %dma_start3A_19 = tpu.memref_slice %arg2[%add3A_18] : memref<640000xi32, #tpu.memory_space<hbm>> -> memref<10000xi32, #tpu.memory_space<hbm>>
    %dma_start3A_20 = tpu.memref_slice %arg2[%add3A_18] : memref<640000xi32, #tpu.memory_space<hbm>> -> memref<10000xi32, #tpu.memory_space<hbm>>
    tpu.enqueue_dma source(%dma_start3A_20 : memref<10000xi32, #tpu.memory_space<hbm>>) target(%arg10 : memref<10000xi32, #tpu.memory_space<vmem>>) target_semaphore(%arg15 : memref<!tpu.dma_semaphore, #tpu.memory_space<semaphore_mem>>)
    %mul3A_21 = arith.constant 10000 : i32
    %mul3A_22 = arith.muli %add3A, %mul3A_21 : i32
    %dma_start3A_23 = tpu.memref_slice %arg2[%mul3A_22] : memref<640000xi32, #tpu.memory_space<hbm>> -> memref<10000xi32, #tpu.memory_space<hbm>>
    %dma_start3A_24 = tpu.memref_slice %arg2[%mul3A_22] : memref<640000xi32, #tpu.memory_space<hbm>> -> memref<10000xi32, #tpu.memory_space<hbm>>
    tpu.enqueue_dma source(%dma_start3A_24 : memref<10000xi32, #tpu.memory_space<hbm>>) target(%arg6 : memref<10000xi32, #tpu.memory_space<vmem>>) target_semaphore(%arg16 : memref<!tpu.dma_semaphore, #tpu.memory_space<semaphore_mem>>)
    %scan3A = arith.constant 0 : i32
    %scan3A_25 = arith.constant 160 : i32
    %scan3A_26 = arith.addi %scan3A, %scan3A_25 : i32
    %scan3A_27 = arith.constant 1 : i32
    scf.for %scan3A_311 = %scan3A to %scan3A_26 step %scan3A_27  : i32 {
      %mul3A_312 = arith.constant 16 : i32
      %mul3A_313 = arith.muli %scan3A_311, %mul3A_312 : i32
      %swap3A = arith.index_cast %mul3A_313 : i32 to index
      %swap3A_314 = tpu.vector_load %arg13[%swap3A] {strides = array<i32>} : memref<2560xf32, #tpu.memory_space<vmem>>, vector<16xf32>,
      tpu.vector_store %arg13[%swap3A], %broadcast_in_dim3A_1 {strides = array<i32>} : memref<2560xf32, #tpu.memory_space<vmem>>, vector<16xf32>,
    }
    %scan3A_28 = arith.constant 160 : i32
    %scan3A_29 = arith.constant 0 : i32
    %scan3A_30 = arith.constant 625 : i32
    %scan3A_31 = arith.addi %scan3A_29, %scan3A_30 : i32
    %scan3A_32 = arith.constant 1 : i32
    scf.for %scan3A_311 = %scan3A_29 to %scan3A_31 step %scan3A_32  : i32 {
      %mul3A_312 = arith.constant 16 : i32
      %mul3A_313 = arith.muli %scan3A_311, %mul3A_312 : i32
      %swap3A = arith.index_cast %mul3A_313 : i32 to index
      %swap3A_314 = tpu.vector_load %arg8[%swap3A] {strides = array<i32>} : memref<10000xf32, #tpu.memory_space<vmem>>, vector<16xf32>,
      tpu.vector_store %arg8[%swap3A], %broadcast_in_dim3A_3 {strides = array<i32>} : memref<10000xf32, #tpu.memory_space<vmem>>, vector<16xf32>,
    }
    %scan3A_33 = arith.constant 625 : i32
    "tpu.region"() ({
      %run_scoped3A = tpu.sem_alloc : memref<!tpu.dma_semaphore, #tpu.memory_space<semaphore_mem>>
      tpu.enqueue_dma source(%arg3 : memref<10240xi32, #tpu.memory_space<hbm>>) target(%arg11 : memref<10240xi32, #tpu.memory_space<vmem>>) target_semaphore(%run_scoped3A : memref<!tpu.dma_semaphore, #tpu.memory_space<semaphore_mem>>)
      tpu.wait_dma2 semaphore(%run_scoped3A : memref<!tpu.dma_semaphore, #tpu.memory_space<semaphore_mem>>) src(%arg3 : memref<10240xi32, #tpu.memory_space<hbm>>) dst(%arg11 : memref<10240xi32, #tpu.memory_space<vmem>>)
      tpu.yield
    }) : () -> ()
    %mul3A_34 = arith.constant 640 : i32
    %mul3A_35 = arith.muli %arg1, %mul3A_34 : i32
    "tpu.region"() ({
      %run_scoped3A = tpu.sem_alloc : memref<!tpu.dma_semaphore, #tpu.memory_space<semaphore_mem>>
      %dma_start3A_311 = arith.constant 0 : i32
      %dma_start3A_312 = tpu.memref_slice %arg13[%dma_start3A_311] : memref<2560xf32, #tpu.memory_space<vmem>> -> memref<640xf32, #tpu.memory_space<vmem>>
      %dma_start3A_313 = tpu.memref_slice %arg17[%mul3A_35] : memref<10240xf32, #tpu.memory_space<vmem_shared>> -> memref<640xf32, #tpu.memory_space<vmem_shared>>
      %dma_start3A_314 = tpu.memref_slice %arg17[%mul3A_35] : memref<10240xf32, #tpu.memory_space<vmem_shared>> -> memref<640xf32, #tpu.memory_space<vmem_shared>>
      %dma_start3A_315 = arith.constant 0 : i32
      %dma_start3A_316 = tpu.memref_slice %arg13[%dma_start3A_315] : memref<2560xf32, #tpu.memory_space<vmem>> -> memref<640xf32, #tpu.memory_space<vmem>>
      tpu.enqueue_dma source(%dma_start3A_316 : memref<640xf32, #tpu.memory_space<vmem>>) target(%dma_start3A_314 : memref<640xf32, #tpu.memory_space<vmem_shared>>) target_semaphore(%run_scoped3A : memref<!tpu.dma_semaphore, #tpu.memory_space<semaphore_mem>>)
      %dma_wait3A_317 = arith.constant 0 : i32
      %dma_wait3A_318 = tpu.memref_slice %arg13[%dma_wait3A_317] : memref<2560xf32, #tpu.memory_space<vmem>> -> memref<640xf32, #tpu.memory_space<vmem>>
      %dma_wait3A_319 = tpu.memref_slice %arg17[%mul3A_35] : memref<10240xf32, #tpu.memory_space<vmem_shared>> -> memref<640xf32, #tpu.memory_space<vmem_shared>>
      %dma_wait3A_320 = tpu.memref_slice %arg17[%mul3A_35] : memref<10240xf32, #tpu.memory_space<vmem_shared>> -> memref<640xf32, #tpu.memory_space<vmem_shared>>
      %dma_wait3A_321 = arith.constant 0 : i32
      %dma_wait3A_322 = tpu.memref_slice %arg13[%dma_wait3A_321] : memref<2560xf32, #tpu.memory_space<vmem>> -> memref<640xf32, #tpu.memory_space<vmem>>
      tpu.wait_dma2 semaphore(%run_scoped3A : memref<!tpu.dma_semaphore, #tpu.memory_space<semaphore_mem>>) src(%dma_wait3A_322 : memref<640xf32, #tpu.memory_space<vmem>>) dst(%dma_wait3A_320 : memref<640xf32, #tpu.memory_space<vmem_shared>>)
      tpu.yield
    }) : () -> ()
    %mul3A_36 = arith.constant 16 : i32
    %mul3A_37 = arith.muli %arg1, %mul3A_36 : i32
    %mul3A_38 = arith.constant 2560 : i32
    %mul3A_39 = arith.muli %mul3A_37, %mul3A_38 : i32
    %add3A_40 = arith.constant 0 : i32
    %add3A_41 = arith.addi %mul3A_39, %add3A_40 : i32
    "tpu.region"() ({
      %run_scoped3A = tpu.sem_alloc : memref<!tpu.dma_semaphore, #tpu.memory_space<semaphore_mem>>
      %dma_start3A_311 = tpu.memref_slice %arg18[%add3A_41] : memref<655360xf32, #tpu.memory_space<vmem_shared>> -> memref<2560xf32, #tpu.memory_space<vmem_shared>>
      %dma_start3A_312 = tpu.memref_slice %arg18[%add3A_41] : memref<655360xf32, #tpu.memory_space<vmem_shared>> -> memref<2560xf32, #tpu.memory_space<vmem_shared>>
      tpu.enqueue_dma source(%arg13 : memref<2560xf32, #tpu.memory_space<vmem>>) target(%dma_start3A_312 : memref<2560xf32, #tpu.memory_space<vmem_shared>>) target_semaphore(%run_scoped3A : memref<!tpu.dma_semaphore, #tpu.memory_space<semaphore_mem>>)
      %dma_wait3A_313 = tpu.memref_slice %arg18[%add3A_41] : memref<655360xf32, #tpu.memory_space<vmem_shared>> -> memref<2560xf32, #tpu.memory_space<vmem_shared>>
      %dma_wait3A_314 = tpu.memref_slice %arg18[%add3A_41] : memref<655360xf32, #tpu.memory_space<vmem_shared>> -> memref<2560xf32, #tpu.memory_space<vmem_shared>>
      tpu.wait_dma2 semaphore(%run_scoped3A : memref<!tpu.dma_semaphore, #tpu.memory_space<semaphore_mem>>) src(%arg13 : memref<2560xf32, #tpu.memory_space<vmem>>) dst(%dma_wait3A_314 : memref<2560xf32, #tpu.memory_space<vmem_shared>>)
      tpu.yield
    }) : () -> ()
    %mul3A_42 = arith.constant 16 : i32
    %mul3A_43 = arith.muli %arg1, %mul3A_42 : i32
    %mul3A_44 = arith.constant 2560 : i32
    %mul3A_45 = arith.muli %mul3A_43, %mul3A_44 : i32
    %add3A_46 = arith.constant 2560 : i32
    %add3A_47 = arith.addi %mul3A_45, %add3A_46 : i32
    "tpu.region"() ({
      %run_scoped3A = tpu.sem_alloc : memref<!tpu.dma_semaphore, #tpu.memory_space<semaphore_mem>>
      %dma_start3A_311 = tpu.memref_slice %arg18[%add3A_47] : memref<655360xf32, #tpu.memory_space<vmem_shared>> -> memref<2560xf32, #tpu.memory_space<vmem_shared>>
      %dma_start3A_312 = tpu.memref_slice %arg18[%add3A_47] : memref<655360xf32, #tpu.memory_space<vmem_shared>> -> memref<2560xf32, #tpu.memory_space<vmem_shared>>
      tpu.enqueue_dma source(%arg13 : memref<2560xf32, #tpu.memory_space<vmem>>) target(%dma_start3A_312 : memref<2560xf32, #tpu.memory_space<vmem_shared>>) target_semaphore(%run_scoped3A : memref<!tpu.dma_semaphore, #tpu.memory_space<semaphore_mem>>)
      %dma_wait3A_313 = tpu.memref_slice %arg18[%add3A_47] : memref<655360xf32, #tpu.memory_space<vmem_shared>> -> memref<2560xf32, #tpu.memory_space<vmem_shared>>
      %dma_wait3A_314 = tpu.memref_slice %arg18[%add3A_47] : memref<655360xf32, #tpu.memory_space<vmem_shared>> -> memref<2560xf32, #tpu.memory_space<vmem_shared>>
      tpu.wait_dma2 semaphore(%run_scoped3A : memref<!tpu.dma_semaphore, #tpu.memory_space<semaphore_mem>>) src(%arg13 : memref<2560xf32, #tpu.memory_space<vmem>>) dst(%dma_wait3A_314 : memref<2560xf32, #tpu.memory_space<vmem_shared>>)
      tpu.yield
    }) : () -> ()
    %mul3A_48 = arith.constant 16 : i32
    %mul3A_49 = arith.muli %arg1, %mul3A_48 : i32
    %mul3A_50 = arith.constant 2560 : i32
    %mul3A_51 = arith.muli %mul3A_49, %mul3A_50 : i32
    %add3A_52 = arith.constant 5120 : i32
    %add3A_53 = arith.addi %mul3A_51, %add3A_52 : i32
    "tpu.region"() ({
      %run_scoped3A = tpu.sem_alloc : memref<!tpu.dma_semaphore, #tpu.memory_space<semaphore_mem>>
      %dma_start3A_311 = tpu.memref_slice %arg18[%add3A_53] : memref<655360xf32, #tpu.memory_space<vmem_shared>> -> memref<2560xf32, #tpu.memory_space<vmem_shared>>
      %dma_start3A_312 = tpu.memref_slice %arg18[%add3A_53] : memref<655360xf32, #tpu.memory_space<vmem_shared>> -> memref<2560xf32, #tpu.memory_space<vmem_shared>>
      tpu.enqueue_dma source(%arg13 : memref<2560xf32, #tpu.memory_space<vmem>>) target(%dma_start3A_312 : memref<2560xf32, #tpu.memory_space<vmem_shared>>) target_semaphore(%run_scoped3A : memref<!tpu.dma_semaphore, #tpu.memory_space<semaphore_mem>>)
      %dma_wait3A_313 = tpu.memref_slice %arg18[%add3A_53] : memref<655360xf32, #tpu.memory_space<vmem_shared>> -> memref<2560xf32, #tpu.memory_space<vmem_shared>>
      %dma_wait3A_314 = tpu.memref_slice %arg18[%add3A_53] : memref<655360xf32, #tpu.memory_space<vmem_shared>> -> memref<2560xf32, #tpu.memory_space<vmem_shared>>
      tpu.wait_dma2 semaphore(%run_scoped3A : memref<!tpu.dma_semaphore, #tpu.memory_space<semaphore_mem>>) src(%arg13 : memref<2560xf32, #tpu.memory_space<vmem>>) dst(%dma_wait3A_314 : memref<2560xf32, #tpu.memory_space<vmem_shared>>)
      tpu.yield
    }) : () -> ()
    %mul3A_54 = arith.constant 16 : i32
    %mul3A_55 = arith.muli %arg1, %mul3A_54 : i32
    %mul3A_56 = arith.constant 2560 : i32
    %mul3A_57 = arith.muli %mul3A_55, %mul3A_56 : i32
    %add3A_58 = arith.constant 7680 : i32
    %add3A_59 = arith.addi %mul3A_57, %add3A_58 : i32
    "tpu.region"() ({
      %run_scoped3A = tpu.sem_alloc : memref<!tpu.dma_semaphore, #tpu.memory_space<semaphore_mem>>
      %dma_start3A_311 = tpu.memref_slice %arg18[%add3A_59] : memref<655360xf32, #tpu.memory_space<vmem_shared>> -> memref<2560xf32, #tpu.memory_space<vmem_shared>>
      %dma_start3A_312 = tpu.memref_slice %arg18[%add3A_59] : memref<655360xf32, #tpu.memory_space<vmem_shared>> -> memref<2560xf32, #tpu.memory_space<vmem_shared>>
      tpu.enqueue_dma source(%arg13 : memref<2560xf32, #tpu.memory_space<vmem>>) target(%dma_start3A_312 : memref<2560xf32, #tpu.memory_space<vmem_shared>>) target_semaphore(%run_scoped3A : memref<!tpu.dma_semaphore, #tpu.memory_space<semaphore_mem>>)
      %dma_wait3A_313 = tpu.memref_slice %arg18[%add3A_59] : memref<655360xf32, #tpu.memory_space<vmem_shared>> -> memref<2560xf32, #tpu.memory_space<vmem_shared>>
      %dma_wait3A_314 = tpu.memref_slice %arg18[%add3A_59] : memref<655360xf32, #tpu.memory_space<vmem_shared>> -> memref<2560xf32, #tpu.memory_space<vmem_shared>>
      tpu.wait_dma2 semaphore(%run_scoped3A : memref<!tpu.dma_semaphore, #tpu.memory_space<semaphore_mem>>) src(%arg13 : memref<2560xf32, #tpu.memory_space<vmem>>) dst(%dma_wait3A_314 : memref<2560xf32, #tpu.memory_space<vmem_shared>>)
      tpu.yield
    }) : () -> ()
    %mul3A_60 = arith.constant 16 : i32
    %mul3A_61 = arith.muli %arg1, %mul3A_60 : i32
    %mul3A_62 = arith.constant 2560 : i32
    %mul3A_63 = arith.muli %mul3A_61, %mul3A_62 : i32
    %add3A_64 = arith.constant 10240 : i32
    %add3A_65 = arith.addi %mul3A_63, %add3A_64 : i32
    "tpu.region"() ({
      %run_scoped3A = tpu.sem_alloc : memref<!tpu.dma_semaphore, #tpu.memory_space<semaphore_mem>>
      %dma_start3A_311 = tpu.memref_slice %arg18[%add3A_65] : memref<655360xf32, #tpu.memory_space<vmem_shared>> -> memref<2560xf32, #tpu.memory_space<vmem_shared>>
      %dma_start3A_312 = tpu.memref_slice %arg18[%add3A_65] : memref<655360xf32, #tpu.memory_space<vmem_shared>> -> memref<2560xf32, #tpu.memory_space<vmem_shared>>
      tpu.enqueue_dma source(%arg13 : memref<2560xf32, #tpu.memory_space<vmem>>) target(%dma_start3A_312 : memref<2560xf32, #tpu.memory_space<vmem_shared>>) target_semaphore(%run_scoped3A : memref<!tpu.dma_semaphore, #tpu.memory_space<semaphore_mem>>)
      %dma_wait3A_313 = tpu.memref_slice %arg18[%add3A_65] : memref<655360xf32, #tpu.memory_space<vmem_shared>> -> memref<2560xf32, #tpu.memory_space<vmem_shared>>
      %dma_wait3A_314 = tpu.memref_slice %arg18[%add3A_65] : memref<655360xf32, #tpu.memory_space<vmem_shared>> -> memref<2560xf32, #tpu.memory_space<vmem_shared>>
      tpu.wait_dma2 semaphore(%run_scoped3A : memref<!tpu.dma_semaphore, #tpu.memory_space<semaphore_mem>>) src(%arg13 : memref<2560xf32, #tpu.memory_space<vmem>>) dst(%dma_wait3A_314 : memref<2560xf32, #tpu.memory_space<vmem_shared>>)
      tpu.yield
    }) : () -> ()
    %mul3A_66 = arith.constant 16 : i32
    %mul3A_67 = arith.muli %arg1, %mul3A_66 : i32
    %mul3A_68 = arith.constant 2560 : i32
    %mul3A_69 = arith.muli %mul3A_67, %mul3A_68 : i32
    %add3A_70 = arith.constant 12800 : i32
    %add3A_71 = arith.addi %mul3A_69, %add3A_70 : i32
    "tpu.region"() ({
      %run_scoped3A = tpu.sem_alloc : memref<!tpu.dma_semaphore, #tpu.memory_space<semaphore_mem>>
      %dma_start3A_311 = tpu.memref_slice %arg18[%add3A_71] : memref<655360xf32, #tpu.memory_space<vmem_shared>> -> memref<2560xf32, #tpu.memory_space<vmem_shared>>
      %dma_start3A_312 = tpu.memref_slice %arg18[%add3A_71] : memref<655360xf32, #tpu.memory_space<vmem_shared>> -> memref<2560xf32, #tpu.memory_space<vmem_shared>>
      tpu.enqueue_dma source(%arg13 : memref<2560xf32, #tpu.memory_space<vmem>>) target(%dma_start3A_312 : memref<2560xf32, #tpu.memory_space<vmem_shared>>) target_semaphore(%run_scoped3A : memref<!tpu.dma_semaphore, #tpu.memory_space<semaphore_mem>>)
      %dma_wait3A_313 = tpu.memref_slice %arg18[%add3A_71] : memref<655360xf32, #tpu.memory_space<vmem_shared>> -> memref<2560xf32, #tpu.memory_space<vmem_shared>>
      %dma_wait3A_314 = tpu.memref_slice %arg18[%add3A_71] : memref<655360xf32, #tpu.memory_space<vmem_shared>> -> memref<2560xf32, #tpu.memory_space<vmem_shared>>
      tpu.wait_dma2 semaphore(%run_scoped3A : memref<!tpu.dma_semaphore, #tpu.memory_space<semaphore_mem>>) src(%arg13 : memref<2560xf32, #tpu.memory_space<vmem>>) dst(%dma_wait3A_314 : memref<2560xf32, #tpu.memory_space<vmem_shared>>)
      tpu.yield
    }) : () -> ()
    %mul3A_72 = arith.constant 16 : i32
    %mul3A_73 = arith.muli %arg1, %mul3A_72 : i32
    %mul3A_74 = arith.constant 2560 : i32
    %mul3A_75 = arith.muli %mul3A_73, %mul3A_74 : i32
    %add3A_76 = arith.constant 15360 : i32
    %add3A_77 = arith.addi %mul3A_75, %add3A_76 : i32
    "tpu.region"() ({
      %run_scoped3A = tpu.sem_alloc : memref<!tpu.dma_semaphore, #tpu.memory_space<semaphore_mem>>
      %dma_start3A_311 = tpu.memref_slice %arg18[%add3A_77] : memref<655360xf32, #tpu.memory_space<vmem_shared>> -> memref<2560xf32, #tpu.memory_space<vmem_shared>>
      %dma_start3A_312 = tpu.memref_slice %arg18[%add3A_77] : memref<655360xf32, #tpu.memory_space<vmem_shared>> -> memref<2560xf32, #tpu.memory_space<vmem_shared>>
      tpu.enqueue_dma source(%arg13 : memref<2560xf32, #tpu.memory_space<vmem>>) target(%dma_start3A_312 : memref<2560xf32, #tpu.memory_space<vmem_shared>>) target_semaphore(%run_scoped3A : memref<!tpu.dma_semaphore, #tpu.memory_space<semaphore_mem>>)
      %dma_wait3A_313 = tpu.memref_slice %arg18[%add3A_77] : memref<655360xf32, #tpu.memory_space<vmem_shared>> -> memref<2560xf32, #tpu.memory_space<vmem_shared>>
      %dma_wait3A_314 = tpu.memref_slice %arg18[%add3A_77] : memref<655360xf32, #tpu.memory_space<vmem_shared>> -> memref<2560xf32, #tpu.memory_space<vmem_shared>>
      tpu.wait_dma2 semaphore(%run_scoped3A : memref<!tpu.dma_semaphore, #tpu.memory_space<semaphore_mem>>) src(%arg13 : memref<2560xf32, #tpu.memory_space<vmem>>) dst(%dma_wait3A_314 : memref<2560xf32, #tpu.memory_space<vmem_shared>>)
      tpu.yield
    }) : () -> ()
    %mul3A_78 = arith.constant 16 : i32
    %mul3A_79 = arith.muli %arg1, %mul3A_78 : i32
    %mul3A_80 = arith.constant 2560 : i32
    %mul3A_81 = arith.muli %mul3A_79, %mul3A_80 : i32
    %add3A_82 = arith.constant 17920 : i32
    %add3A_83 = arith.addi %mul3A_81, %add3A_82 : i32
    "tpu.region"() ({
      %run_scoped3A = tpu.sem_alloc : memref<!tpu.dma_semaphore, #tpu.memory_space<semaphore_mem>>
      %dma_start3A_311 = tpu.memref_slice %arg18[%add3A_83] : memref<655360xf32, #tpu.memory_space<vmem_shared>> -> memref<2560xf32, #tpu.memory_space<vmem_shared>>
      %dma_start3A_312 = tpu.memref_slice %arg18[%add3A_83] : memref<655360xf32, #tpu.memory_space<vmem_shared>> -> memref<2560xf32, #tpu.memory_space<vmem_shared>>
      tpu.enqueue_dma source(%arg13 : memref<2560xf32, #tpu.memory_space<vmem>>) target(%dma_start3A_312 : memref<2560xf32, #tpu.memory_space<vmem_shared>>) target_semaphore(%run_scoped3A : memref<!tpu.dma_semaphore, #tpu.memory_space<semaphore_mem>>)
      %dma_wait3A_313 = tpu.memref_slice %arg18[%add3A_83] : memref<655360xf32, #tpu.memory_space<vmem_shared>> -> memref<2560xf32, #tpu.memory_space<vmem_shared>>
      %dma_wait3A_314 = tpu.memref_slice %arg18[%add3A_83] : memref<655360xf32, #tpu.memory_space<vmem_shared>> -> memref<2560xf32, #tpu.memory_space<vmem_shared>>
      tpu.wait_dma2 semaphore(%run_scoped3A : memref<!tpu.dma_semaphore, #tpu.memory_space<semaphore_mem>>) src(%arg13 : memref<2560xf32, #tpu.memory_space<vmem>>) dst(%dma_wait3A_314 : memref<2560xf32, #tpu.memory_space<vmem_shared>>)
      tpu.yield
    }) : () -> ()
    %mul3A_84 = arith.constant 16 : i32
    %mul3A_85 = arith.muli %arg1, %mul3A_84 : i32
    %mul3A_86 = arith.constant 2560 : i32
    %mul3A_87 = arith.muli %mul3A_85, %mul3A_86 : i32
    %add3A_88 = arith.constant 20480 : i32
    %add3A_89 = arith.addi %mul3A_87, %add3A_88 : i32
    "tpu.region"() ({
      %run_scoped3A = tpu.sem_alloc : memref<!tpu.dma_semaphore, #tpu.memory_space<semaphore_mem>>
      %dma_start3A_311 = tpu.memref_slice %arg18[%add3A_89] : memref<655360xf32, #tpu.memory_space<vmem_shared>> -> memref<2560xf32, #tpu.memory_space<vmem_shared>>
      %dma_start3A_312 = tpu.memref_slice %arg18[%add3A_89] : memref<655360xf32, #tpu.memory_space<vmem_shared>> -> memref<2560xf32, #tpu.memory_space<vmem_shared>>
      tpu.enqueue_dma source(%arg13 : memref<2560xf32, #tpu.memory_space<vmem>>) target(%dma_start3A_312 : memref<2560xf32, #tpu.memory_space<vmem_shared>>) target_semaphore(%run_scoped3A : memref<!tpu.dma_semaphore, #tpu.memory_space<semaphore_mem>>)
      %dma_wait3A_313 = tpu.memref_slice %arg18[%add3A_89] : memref<655360xf32, #tpu.memory_space<vmem_shared>> -> memref<2560xf32, #tpu.memory_space<vmem_shared>>
      %dma_wait3A_314 = tpu.memref_slice %arg18[%add3A_89] : memref<655360xf32, #tpu.memory_space<vmem_shared>> -> memref<2560xf32, #tpu.memory_space<vmem_shared>>
      tpu.wait_dma2 semaphore(%run_scoped3A : memref<!tpu.dma_semaphore, #tpu.memory_space<semaphore_mem>>) src(%arg13 : memref<2560xf32, #tpu.memory_space<vmem>>) dst(%dma_wait3A_314 : memref<2560xf32, #tpu.memory_space<vmem_shared>>)
      tpu.yield
    }) : () -> ()
    %mul3A_90 = arith.constant 16 : i32
    %mul3A_91 = arith.muli %arg1, %mul3A_90 : i32
    %mul3A_92 = arith.constant 2560 : i32
    %mul3A_93 = arith.muli %mul3A_91, %mul3A_92 : i32
    %add3A_94 = arith.constant 23040 : i32
    %add3A_95 = arith.addi %mul3A_93, %add3A_94 : i32
    "tpu.region"() ({
      %run_scoped3A = tpu.sem_alloc : memref<!tpu.dma_semaphore, #tpu.memory_space<semaphore_mem>>
      %dma_start3A_311 = tpu.memref_slice %arg18[%add3A_95] : memref<655360xf32, #tpu.memory_space<vmem_shared>> -> memref<2560xf32, #tpu.memory_space<vmem_shared>>
      %dma_start3A_312 = tpu.memref_slice %arg18[%add3A_95] : memref<655360xf32, #tpu.memory_space<vmem_shared>> -> memref<2560xf32, #tpu.memory_space<vmem_shared>>
      tpu.enqueue_dma source(%arg13 : memref<2560xf32, #tpu.memory_space<vmem>>) target(%dma_start3A_312 : memref<2560xf32, #tpu.memory_space<vmem_shared>>) target_semaphore(%run_scoped3A : memref<!tpu.dma_semaphore, #tpu.memory_space<semaphore_mem>>)
      %dma_wait3A_313 = tpu.memref_slice %arg18[%add3A_95] : memref<655360xf32, #tpu.memory_space<vmem_shared>> -> memref<2560xf32, #tpu.memory_space<vmem_shared>>
      %dma_wait3A_314 = tpu.memref_slice %arg18[%add3A_95] : memref<655360xf32, #tpu.memory_space<vmem_shared>> -> memref<2560xf32, #tpu.memory_space<vmem_shared>>
      tpu.wait_dma2 semaphore(%run_scoped3A : memref<!tpu.dma_semaphore, #tpu.memory_space<semaphore_mem>>) src(%arg13 : memref<2560xf32, #tpu.memory_space<vmem>>) dst(%dma_wait3A_314 : memref<2560xf32, #tpu.memory_space<vmem_shared>>)
      tpu.yield
    }) : () -> ()
    %mul3A_96 = arith.constant 16 : i32
    %mul3A_97 = arith.muli %arg1, %mul3A_96 : i32
    %mul3A_98 = arith.constant 2560 : i32
    %mul3A_99 = arith.muli %mul3A_97, %mul3A_98 : i32
    %add3A_100 = arith.constant 25600 : i32
    %add3A_101 = arith.addi %mul3A_99, %add3A_100 : i32
    "tpu.region"() ({
      %run_scoped3A = tpu.sem_alloc : memref<!tpu.dma_semaphore, #tpu.memory_space<semaphore_mem>>
      %dma_start3A_311 = tpu.memref_slice %arg18[%add3A_101] : memref<655360xf32, #tpu.memory_space<vmem_shared>> -> memref<2560xf32, #tpu.memory_space<vmem_shared>>
      %dma_start3A_312 = tpu.memref_slice %arg18[%add3A_101] : memref<655360xf32, #tpu.memory_space<vmem_shared>> -> memref<2560xf32, #tpu.memory_space<vmem_shared>>
      tpu.enqueue_dma source(%arg13 : memref<2560xf32, #tpu.memory_space<vmem>>) target(%dma_start3A_312 : memref<2560xf32, #tpu.memory_space<vmem_shared>>) target_semaphore(%run_scoped3A : memref<!tpu.dma_semaphore, #tpu.memory_space<semaphore_mem>>)
      %dma_wait3A_313 = tpu.memref_slice %arg18[%add3A_101] : memref<655360xf32, #tpu.memory_space<vmem_shared>> -> memref<2560xf32, #tpu.memory_space<vmem_shared>>
      %dma_wait3A_314 = tpu.memref_slice %arg18[%add3A_101] : memref<655360xf32, #tpu.memory_space<vmem_shared>> -> memref<2560xf32, #tpu.memory_space<vmem_shared>>
      tpu.wait_dma2 semaphore(%run_scoped3A : memref<!tpu.dma_semaphore, #tpu.memory_space<semaphore_mem>>) src(%arg13 : memref<2560xf32, #tpu.memory_space<vmem>>) dst(%dma_wait3A_314 : memref<2560xf32, #tpu.memory_space<vmem_shared>>)
      tpu.yield
    }) : () -> ()
    %mul3A_102 = arith.constant 16 : i32
    %mul3A_103 = arith.muli %arg1, %mul3A_102 : i32
    %mul3A_104 = arith.constant 2560 : i32
    %mul3A_105 = arith.muli %mul3A_103, %mul3A_104 : i32
    %add3A_106 = arith.constant 28160 : i32
    %add3A_107 = arith.addi %mul3A_105, %add3A_106 : i32
    "tpu.region"() ({
      %run_scoped3A = tpu.sem_alloc : memref<!tpu.dma_semaphore, #tpu.memory_space<semaphore_mem>>
      %dma_start3A_311 = tpu.memref_slice %arg18[%add3A_107] : memref<655360xf32, #tpu.memory_space<vmem_shared>> -> memref<2560xf32, #tpu.memory_space<vmem_shared>>
      %dma_start3A_312 = tpu.memref_slice %arg18[%add3A_107] : memref<655360xf32, #tpu.memory_space<vmem_shared>> -> memref<2560xf32, #tpu.memory_space<vmem_shared>>
      tpu.enqueue_dma source(%arg13 : memref<2560xf32, #tpu.memory_space<vmem>>) target(%dma_start3A_312 : memref<2560xf32, #tpu.memory_space<vmem_shared>>) target_semaphore(%run_scoped3A : memref<!tpu.dma_semaphore, #tpu.memory_space<semaphore_mem>>)
      %dma_wait3A_313 = tpu.memref_slice %arg18[%add3A_107] : memref<655360xf32, #tpu.memory_space<vmem_shared>> -> memref<2560xf32, #tpu.memory_space<vmem_shared>>
      %dma_wait3A_314 = tpu.memref_slice %arg18[%add3A_107] : memref<655360xf32, #tpu.memory_space<vmem_shared>> -> memref<2560xf32, #tpu.memory_space<vmem_shared>>
      tpu.wait_dma2 semaphore(%run_scoped3A : memref<!tpu.dma_semaphore, #tpu.memory_space<semaphore_mem>>) src(%arg13 : memref<2560xf32, #tpu.memory_space<vmem>>) dst(%dma_wait3A_314 : memref<2560xf32, #tpu.memory_space<vmem_shared>>)
      tpu.yield
    }) : () -> ()
    %mul3A_108 = arith.constant 16 : i32
    %mul3A_109 = arith.muli %arg1, %mul3A_108 : i32
    %mul3A_110 = arith.constant 2560 : i32
    %mul3A_111 = arith.muli %mul3A_109, %mul3A_110 : i32
    %add3A_112 = arith.constant 30720 : i32
    %add3A_113 = arith.addi %mul3A_111, %add3A_112 : i32
    "tpu.region"() ({
      %run_scoped3A = tpu.sem_alloc : memref<!tpu.dma_semaphore, #tpu.memory_space<semaphore_mem>>
      %dma_start3A_311 = tpu.memref_slice %arg18[%add3A_113] : memref<655360xf32, #tpu.memory_space<vmem_shared>> -> memref<2560xf32, #tpu.memory_space<vmem_shared>>
      %dma_start3A_312 = tpu.memref_slice %arg18[%add3A_113] : memref<655360xf32, #tpu.memory_space<vmem_shared>> -> memref<2560xf32, #tpu.memory_space<vmem_shared>>
      tpu.enqueue_dma source(%arg13 : memref<2560xf32, #tpu.memory_space<vmem>>) target(%dma_start3A_312 : memref<2560xf32, #tpu.memory_space<vmem_shared>>) target_semaphore(%run_scoped3A : memref<!tpu.dma_semaphore, #tpu.memory_space<semaphore_mem>>)
      %dma_wait3A_313 = tpu.memref_slice %arg18[%add3A_113] : memref<655360xf32, #tpu.memory_space<vmem_shared>> -> memref<2560xf32, #tpu.memory_space<vmem_shared>>
      %dma_wait3A_314 = tpu.memref_slice %arg18[%add3A_113] : memref<655360xf32, #tpu.memory_space<vmem_shared>> -> memref<2560xf32, #tpu.memory_space<vmem_shared>>
      tpu.wait_dma2 semaphore(%run_scoped3A : memref<!tpu.dma_semaphore, #tpu.memory_space<semaphore_mem>>) src(%arg13 : memref<2560xf32, #tpu.memory_space<vmem>>) dst(%dma_wait3A_314 : memref<2560xf32, #tpu.memory_space<vmem_shared>>)
      tpu.yield
    }) : () -> ()
    %mul3A_114 = arith.constant 16 : i32
    %mul3A_115 = arith.muli %arg1, %mul3A_114 : i32
    %mul3A_116 = arith.constant 2560 : i32
    %mul3A_117 = arith.muli %mul3A_115, %mul3A_116 : i32
    %add3A_118 = arith.constant 33280 : i32
    %add3A_119 = arith.addi %mul3A_117, %add3A_118 : i32
    "tpu.region"() ({
      %run_scoped3A = tpu.sem_alloc : memref<!tpu.dma_semaphore, #tpu.memory_space<semaphore_mem>>
      %dma_start3A_311 = tpu.memref_slice %arg18[%add3A_119] : memref<655360xf32, #tpu.memory_space<vmem_shared>> -> memref<2560xf32, #tpu.memory_space<vmem_shared>>
      %dma_start3A_312 = tpu.memref_slice %arg18[%add3A_119] : memref<655360xf32, #tpu.memory_space<vmem_shared>> -> memref<2560xf32, #tpu.memory_space<vmem_shared>>
      tpu.enqueue_dma source(%arg13 : memref<2560xf32, #tpu.memory_space<vmem>>) target(%dma_start3A_312 : memref<2560xf32, #tpu.memory_space<vmem_shared>>) target_semaphore(%run_scoped3A : memref<!tpu.dma_semaphore, #tpu.memory_space<semaphore_mem>>)
      %dma_wait3A_313 = tpu.memref_slice %arg18[%add3A_119] : memref<655360xf32, #tpu.memory_space<vmem_shared>> -> memref<2560xf32, #tpu.memory_space<vmem_shared>>
      %dma_wait3A_314 = tpu.memref_slice %arg18[%add3A_119] : memref<655360xf32, #tpu.memory_space<vmem_shared>> -> memref<2560xf32, #tpu.memory_space<vmem_shared>>
      tpu.wait_dma2 semaphore(%run_scoped3A : memref<!tpu.dma_semaphore, #tpu.memory_space<semaphore_mem>>) src(%arg13 : memref<2560xf32, #tpu.memory_space<vmem>>) dst(%dma_wait3A_314 : memref<2560xf32, #tpu.memory_space<vmem_shared>>)
      tpu.yield
    }) : () -> ()
    %mul3A_120 = arith.constant 16 : i32
    %mul3A_121 = arith.muli %arg1, %mul3A_120 : i32
    %mul3A_122 = arith.constant 2560 : i32
    %mul3A_123 = arith.muli %mul3A_121, %mul3A_122 : i32
    %add3A_124 = arith.constant 35840 : i32
    %add3A_125 = arith.addi %mul3A_123, %add3A_124 : i32
    "tpu.region"() ({
      %run_scoped3A = tpu.sem_alloc : memref<!tpu.dma_semaphore, #tpu.memory_space<semaphore_mem>>
      %dma_start3A_311 = tpu.memref_slice %arg18[%add3A_125] : memref<655360xf32, #tpu.memory_space<vmem_shared>> -> memref<2560xf32, #tpu.memory_space<vmem_shared>>
      %dma_start3A_312 = tpu.memref_slice %arg18[%add3A_125] : memref<655360xf32, #tpu.memory_space<vmem_shared>> -> memref<2560xf32, #tpu.memory_space<vmem_shared>>
      tpu.enqueue_dma source(%arg13 : memref<2560xf32, #tpu.memory_space<vmem>>) target(%dma_start3A_312 : memref<2560xf32, #tpu.memory_space<vmem_shared>>) target_semaphore(%run_scoped3A : memref<!tpu.dma_semaphore, #tpu.memory_space<semaphore_mem>>)
      %dma_wait3A_313 = tpu.memref_slice %arg18[%add3A_125] : memref<655360xf32, #tpu.memory_space<vmem_shared>> -> memref<2560xf32, #tpu.memory_space<vmem_shared>>
      %dma_wait3A_314 = tpu.memref_slice %arg18[%add3A_125] : memref<655360xf32, #tpu.memory_space<vmem_shared>> -> memref<2560xf32, #tpu.memory_space<vmem_shared>>
      tpu.wait_dma2 semaphore(%run_scoped3A : memref<!tpu.dma_semaphore, #tpu.memory_space<semaphore_mem>>) src(%arg13 : memref<2560xf32, #tpu.memory_space<vmem>>) dst(%dma_wait3A_314 : memref<2560xf32, #tpu.memory_space<vmem_shared>>)
      tpu.yield
    }) : () -> ()
    %mul3A_126 = arith.constant 16 : i32
    %mul3A_127 = arith.muli %arg1, %mul3A_126 : i32
    %mul3A_128 = arith.constant 2560 : i32
    %mul3A_129 = arith.muli %mul3A_127, %mul3A_128 : i32
    %add3A_130 = arith.constant 38400 : i32
    %add3A_131 = arith.addi %mul3A_129, %add3A_130 : i32
    "tpu.region"() ({
      %run_scoped3A = tpu.sem_alloc : memref<!tpu.dma_semaphore, #tpu.memory_space<semaphore_mem>>
      %dma_start3A_311 = tpu.memref_slice %arg18[%add3A_131] : memref<655360xf32, #tpu.memory_space<vmem_shared>> -> memref<2560xf32, #tpu.memory_space<vmem_shared>>
      %dma_start3A_312 = tpu.memref_slice %arg18[%add3A_131] : memref<655360xf32, #tpu.memory_space<vmem_shared>> -> memref<2560xf32, #tpu.memory_space<vmem_shared>>
      tpu.enqueue_dma source(%arg13 : memref<2560xf32, #tpu.memory_space<vmem>>) target(%dma_start3A_312 : memref<2560xf32, #tpu.memory_space<vmem_shared>>) target_semaphore(%run_scoped3A : memref<!tpu.dma_semaphore, #tpu.memory_space<semaphore_mem>>)
      %dma_wait3A_313 = tpu.memref_slice %arg18[%add3A_131] : memref<655360xf32, #tpu.memory_space<vmem_shared>> -> memref<2560xf32, #tpu.memory_space<vmem_shared>>
      %dma_wait3A_314 = tpu.memref_slice %arg18[%add3A_131] : memref<655360xf32, #tpu.memory_space<vmem_shared>> -> memref<2560xf32, #tpu.memory_space<vmem_shared>>
      tpu.wait_dma2 semaphore(%run_scoped3A : memref<!tpu.dma_semaphore, #tpu.memory_space<semaphore_mem>>) src(%arg13 : memref<2560xf32, #tpu.memory_space<vmem>>) dst(%dma_wait3A_314 : memref<2560xf32, #tpu.memory_space<vmem_shared>>)
      tpu.yield
    }) : () -> ()
    %barrier3A = arith.constant 0 : index
    tpu.barrier barrier_id(%barrier3A)
    %dma_wait3A = tpu.memref_slice %arg2[%add3A_9] : memref<640000xi32, #tpu.memory_space<hbm>> -> memref<10000xi32, #tpu.memory_space<hbm>>
    %dma_wait3A_132 = tpu.memref_slice %arg2[%add3A_9] : memref<640000xi32, #tpu.memory_space<hbm>> -> memref<10000xi32, #tpu.memory_space<hbm>>
    tpu.wait_dma2 semaphore(%arg14 : memref<!tpu.dma_semaphore, #tpu.memory_space<semaphore_mem>>) src(%dma_wait3A_132 : memref<10000xi32, #tpu.memory_space<hbm>>) dst(%arg7 : memref<10000xi32, #tpu.memory_space<vmem>>)
    "tpu.region"() ({
      %run_scoped3A = tpu.sem_alloc : memref<!tpu.dma_semaphore, #tpu.memory_space<semaphore_mem>>
      %dma_start3A_311 = arith.constant 0 : i32
      %dma_start3A_312 = tpu.memref_slice %arg17[%dma_start3A_311] : memref<10240xf32, #tpu.memory_space<vmem_shared>> -> memref<10240xf32, #tpu.memory_space<vmem_shared>>
      tpu.enqueue_indirect_dma source(%arg8 : memref<10000xf32, #tpu.memory_space<vmem>>) target(%dma_start3A_312 : memref<10240xf32, #tpu.memory_space<vmem_shared>>) offsets(%arg7 : memref<10000xi32, #tpu.memory_space<vmem>>) semaphore(%run_scoped3A : memref<!tpu.dma_semaphore, #tpu.memory_space<semaphore_mem>>) {add = true}
      %dma_wait3A_313 = arith.constant 0 : i32
      %dma_wait3A_314 = tpu.memref_slice %arg17[%dma_wait3A_313] : memref<10240xf32, #tpu.memory_space<vmem_shared>> -> memref<10240xf32, #tpu.memory_space<vmem_shared>>
      tpu.wait_indirect_dma semaphore(%run_scoped3A : memref<!tpu.dma_semaphore, #tpu.memory_space<semaphore_mem>>) src(%arg8 : memref<10000xf32, #tpu.memory_space<vmem>>) dst(%dma_wait3A_314 : memref<10240xf32, #tpu.memory_space<vmem_shared>>)
      tpu.yield
    }) : () -> ()
    %dma_wait3A_133 = tpu.memref_slice %arg2[%add3A_18] : memref<640000xi32, #tpu.memory_space<hbm>> -> memref<10000xi32, #tpu.memory_space<hbm>>
    %dma_wait3A_134 = tpu.memref_slice %arg2[%add3A_18] : memref<640000xi32, #tpu.memory_space<hbm>> -> memref<10000xi32, #tpu.memory_space<hbm>>
    tpu.wait_dma2 semaphore(%arg15 : memref<!tpu.dma_semaphore, #tpu.memory_space<semaphore_mem>>) src(%dma_wait3A_134 : memref<10000xi32, #tpu.memory_space<hbm>>) dst(%arg10 : memref<10000xi32, #tpu.memory_space<vmem>>)
    %mul3A_135 = arith.constant 10000 : i32
    %mul3A_136 = arith.muli %add3A, %mul3A_135 : i32
    %add3A_137 = arith.constant 320000 : i32
    %add3A_138 = arith.addi %add3A_137, %mul3A_136 : i32
    %dma_start3A_139 = tpu.memref_slice %arg2[%add3A_138] : memref<640000xi32, #tpu.memory_space<hbm>> -> memref<10000xi32, #tpu.memory_space<hbm>>
    %dma_start3A_140 = tpu.memref_slice %arg2[%add3A_138] : memref<640000xi32, #tpu.memory_space<hbm>> -> memref<10000xi32, #tpu.memory_space<hbm>>
    tpu.enqueue_dma source(%dma_start3A_140 : memref<10000xi32, #tpu.memory_space<hbm>>) target(%arg7 : memref<10000xi32, #tpu.memory_space<vmem>>) target_semaphore(%arg14 : memref<!tpu.dma_semaphore, #tpu.memory_space<semaphore_mem>>)
    "tpu.region"() ({
      %run_scoped3A = tpu.sem_alloc : memref<!tpu.dma_semaphore, #tpu.memory_space<semaphore_mem>>
      %dma_start3A_311 = arith.constant 0 : i32
      %dma_start3A_312 = tpu.memref_slice %arg17[%dma_start3A_311] : memref<10240xf32, #tpu.memory_space<vmem_shared>> -> memref<10240xf32, #tpu.memory_space<vmem_shared>>
      tpu.enqueue_indirect_dma source(%arg8 : memref<10000xf32, #tpu.memory_space<vmem>>) target(%dma_start3A_312 : memref<10240xf32, #tpu.memory_space<vmem_shared>>) offsets(%arg10 : memref<10000xi32, #tpu.memory_space<vmem>>) semaphore(%run_scoped3A : memref<!tpu.dma_semaphore, #tpu.memory_space<semaphore_mem>>) {add = true}
      %dma_wait3A_313 = arith.constant 0 : i32
      %dma_wait3A_314 = tpu.memref_slice %arg17[%dma_wait3A_313] : memref<10240xf32, #tpu.memory_space<vmem_shared>> -> memref<10240xf32, #tpu.memory_space<vmem_shared>>
      tpu.wait_indirect_dma semaphore(%run_scoped3A : memref<!tpu.dma_semaphore, #tpu.memory_space<semaphore_mem>>) src(%arg8 : memref<10000xf32, #tpu.memory_space<vmem>>) dst(%dma_wait3A_314 : memref<10240xf32, #tpu.memory_space<vmem_shared>>)
      tpu.yield
    }) : () -> ()
    %barrier3A_141 = arith.constant 0 : index
    tpu.barrier barrier_id(%barrier3A_141)
    "tpu.region"() ({
      %run_scoped3A = tpu.sem_alloc : memref<!tpu.dma_semaphore, #tpu.memory_space<semaphore_mem>>
      tpu.enqueue_dma source(%arg17 : memref<10240xf32, #tpu.memory_space<vmem_shared>>) target(%arg12 : memref<10240xf32, #tpu.memory_space<vmem>>) target_semaphore(%run_scoped3A : memref<!tpu.dma_semaphore, #tpu.memory_space<semaphore_mem>>)
      tpu.wait_dma2 semaphore(%run_scoped3A : memref<!tpu.dma_semaphore, #tpu.memory_space<semaphore_mem>>) src(%arg17 : memref<10240xf32, #tpu.memory_space<vmem_shared>>) dst(%arg12 : memref<10240xf32, #tpu.memory_space<vmem>>)
      tpu.yield
    }) : () -> ()
    %scan3A_142 = arith.constant 0 : i32
    %scan3A_143 = arith.constant 640 : i32
    %scan3A_144 = arith.addi %scan3A_142, %scan3A_143 : i32
    %scan3A_145 = arith.constant 1 : i32
    scf.for %scan3A_311 = %scan3A_142 to %scan3A_144 step %scan3A_145  : i32 {
      %mul3A_312 = arith.constant 16 : i32
      %mul3A_313 = arith.muli %scan3A_311, %mul3A_312 : i32
      %get3A = arith.index_cast %mul3A_313 : i32 to index
      %get3A_314 = tpu.vector_load %arg12[%get3A] {strides = array<i32>} : memref<10240xf32, #tpu.memory_space<vmem>>, vector<16xf32>,
      %add3A_315 = arith.constant 1.000000e+00 : f32
      %add3A_316 = vector.broadcast %add3A_315 : f32 to vector<16xf32>
      %add3A_317 = arith.addf %get3A_314, %add3A_316 : vector<16xf32>
      %bitcast_convert_type3A = tpu.bitcast %add3A_317 : vector<16xf32> -> vector<16xi32>
      %shift_right_logical3A = arith.constant 1 : i32
      %shift_right_logical3A_318 = vector.broadcast %shift_right_logical3A : i32 to vector<16xi32>
      %shift_right_logical3A_319 = arith.shrui %bitcast_convert_type3A, %shift_right_logical3A_318 : vector<16xi32>
      %sub3A = arith.constant 1597463007 : i32
      %sub3A_320 = vector.broadcast %sub3A : i32 to vector<16xi32>
      %sub3A_321 = arith.subi %sub3A_320, %shift_right_logical3A_319 : vector<16xi32>
      %bitcast_convert_type3A_322 = tpu.bitcast %sub3A_321 : vector<16xi32> -> vector<16xf32>
      %mul3A_323 = arith.constant 5.000000e-01 : f32
      %mul3A_324 = vector.broadcast %mul3A_323 : f32 to vector<16xf32>
      %mul3A_325 = arith.mulf %mul3A_324, %add3A_317 : vector<16xf32>
      %mul3A_326 = arith.mulf %mul3A_325, %bitcast_convert_type3A_322 : vector<16xf32>
      %mul3A_327 = arith.mulf %mul3A_326, %bitcast_convert_type3A_322 : vector<16xf32>
      %sub3A_328 = arith.constant 1.500000e+00 : f32
      %sub3A_329 = vector.broadcast %sub3A_328 : f32 to vector<16xf32>
      %sub3A_330 = arith.subf %sub3A_329, %mul3A_327 : vector<16xf32>
      %mul3A_331 = arith.mulf %bitcast_convert_type3A_322, %sub3A_330 : vector<16xf32>
      %mul3A_332 = arith.constant 5.000000e-01 : f32
      %mul3A_333 = vector.broadcast %mul3A_332 : f32 to vector<16xf32>
      %mul3A_334 = arith.mulf %mul3A_333, %add3A_317 : vector<16xf32>
      %mul3A_335 = arith.mulf %mul3A_334, %mul3A_331 : vector<16xf32>
      %mul3A_336 = arith.mulf %mul3A_335, %mul3A_331 : vector<16xf32>
      %sub3A_337 = arith.constant 1.500000e+00 : f32
      %sub3A_338 = vector.broadcast %sub3A_337 : f32 to vector<16xf32>
      %sub3A_339 = arith.subf %sub3A_338, %mul3A_336 : vector<16xf32>
      %mul3A_340 = arith.mulf %mul3A_331, %sub3A_339 : vector<16xf32>
      %mul3A_341 = arith.constant 5.000000e-01 : f32
      %mul3A_342 = vector.broadcast %mul3A_341 : f32 to vector<16xf32>
      %mul3A_343 = arith.mulf %mul3A_342, %add3A_317 : vector<16xf32>
      %mul3A_344 = arith.mulf %mul3A_343, %mul3A_340 : vector<16xf32>
      %mul3A_345 = arith.mulf %mul3A_344, %mul3A_340 : vector<16xf32>
      %sub3A_346 = arith.constant 1.500000e+00 : f32
      %sub3A_347 = vector.broadcast %sub3A_346 : f32 to vector<16xf32>
      %sub3A_348 = arith.subf %sub3A_347, %mul3A_345 : vector<16xf32>
      %mul3A_349 = arith.mulf %mul3A_340, %sub3A_348 : vector<16xf32>
      %mul3A_350 = arith.constant 16 : i32
      %mul3A_351 = arith.muli %scan3A_311, %mul3A_350 : i32
      %swap3A = arith.index_cast %mul3A_351 : i32 to index
      %swap3A_352 = tpu.vector_load %arg12[%swap3A] {strides = array<i32>} : memref<10240xf32, #tpu.memory_space<vmem>>, vector<16xf32>,
      tpu.vector_store %arg12[%swap3A], %mul3A_349 {strides = array<i32>} : memref<10240xf32, #tpu.memory_space<vmem>>, vector<16xf32>,
    }
    %scan3A_146 = arith.constant 640 : i32
    %scan3A_147 = arith.constant 0 : i32
    %scan3A_148 = arith.constant 40 : i32
    %scan3A_149 = arith.addi %scan3A_147, %scan3A_148 : i32
    %scan3A_150 = arith.constant 1 : i32
    scf.for %scan3A_311 = %scan3A_147 to %scan3A_149 step %scan3A_150  : i32 {
      %mul3A_312 = arith.constant 640 : i32
      %mul3A_313 = arith.muli %arg1, %mul3A_312 : i32
      %mul3A_314 = arith.constant 16 : i32
      %mul3A_315 = arith.muli %scan3A_311, %mul3A_314 : i32
      %add3A_316 = arith.addi %mul3A_313, %mul3A_315 : i32
      %get3A = arith.index_cast %add3A_316 : i32 to index
      %get3A_317 = tpu.vector_load %arg12[%get3A] {strides = array<i32>} : memref<10240xf32, #tpu.memory_space<vmem>>, vector<16xf32>,
      %mul3A_318 = arith.constant 16 : i32
      %mul3A_319 = arith.muli %scan3A_311, %mul3A_318 : i32
      %swap3A = arith.index_cast %mul3A_319 : i32 to index
      %swap3A_320 = tpu.vector_load %arg13[%swap3A] {strides = array<i32>} : memref<2560xf32, #tpu.memory_space<vmem>>, vector<16xf32>,
      tpu.vector_store %arg13[%swap3A], %get3A_317 {strides = array<i32>} : memref<2560xf32, #tpu.memory_space<vmem>>, vector<16xf32>,
    }
    %scan3A_151 = arith.constant 40 : i32
    %mul3A_152 = arith.constant 10240 : i32
    %mul3A_153 = arith.muli %arg0, %mul3A_152 : i32
    %mul3A_154 = arith.constant 640 : i32
    %mul3A_155 = arith.muli %arg1, %mul3A_154 : i32
    %add3A_156 = arith.addi %mul3A_153, %mul3A_155 : i32
    "tpu.region"() ({
      %run_scoped3A = tpu.sem_alloc : memref<!tpu.dma_semaphore, #tpu.memory_space<semaphore_mem>>
      %dma_start3A_311 = arith.constant 0 : i32
      %dma_start3A_312 = tpu.memref_slice %arg13[%dma_start3A_311] : memref<2560xf32, #tpu.memory_space<vmem>> -> memref<640xf32, #tpu.memory_space<vmem>>
      %dma_start3A_313 = tpu.memref_slice %arg4[%add3A_156] : memref<20480xf32, #tpu.memory_space<hbm>> -> memref<640xf32, #tpu.memory_space<hbm>>
      %dma_start3A_314 = tpu.memref_slice %arg4[%add3A_156] : memref<20480xf32, #tpu.memory_space<hbm>> -> memref<640xf32, #tpu.memory_space<hbm>>
      %dma_start3A_315 = arith.constant 0 : i32
      %dma_start3A_316 = tpu.memref_slice %arg13[%dma_start3A_315] : memref<2560xf32, #tpu.memory_space<vmem>> -> memref<640xf32, #tpu.memory_space<vmem>>
      tpu.enqueue_dma source(%dma_start3A_316 : memref<640xf32, #tpu.memory_space<vmem>>) target(%dma_start3A_314 : memref<640xf32, #tpu.memory_space<hbm>>) target_semaphore(%run_scoped3A : memref<!tpu.dma_semaphore, #tpu.memory_space<semaphore_mem>>)
      %dma_wait3A_317 = arith.constant 0 : i32
      %dma_wait3A_318 = tpu.memref_slice %arg13[%dma_wait3A_317] : memref<2560xf32, #tpu.memory_space<vmem>> -> memref<640xf32, #tpu.memory_space<vmem>>
      %dma_wait3A_319 = tpu.memref_slice %arg4[%add3A_156] : memref<20480xf32, #tpu.memory_space<hbm>> -> memref<640xf32, #tpu.memory_space<hbm>>
      %dma_wait3A_320 = tpu.memref_slice %arg4[%add3A_156] : memref<20480xf32, #tpu.memory_space<hbm>> -> memref<640xf32, #tpu.memory_space<hbm>>
      %dma_wait3A_321 = arith.constant 0 : i32
      %dma_wait3A_322 = tpu.memref_slice %arg13[%dma_wait3A_321] : memref<2560xf32, #tpu.memory_space<vmem>> -> memref<640xf32, #tpu.memory_space<vmem>>
      tpu.wait_dma2 semaphore(%run_scoped3A : memref<!tpu.dma_semaphore, #tpu.memory_space<semaphore_mem>>) src(%dma_wait3A_322 : memref<640xf32, #tpu.memory_space<vmem>>) dst(%dma_wait3A_320 : memref<640xf32, #tpu.memory_space<hbm>>)
      tpu.yield
    }) : () -> ()
    %dma_wait3A_157 = tpu.memref_slice %arg2[%mul3A_22] : memref<640000xi32, #tpu.memory_space<hbm>> -> memref<10000xi32, #tpu.memory_space<hbm>>
    %dma_wait3A_158 = tpu.memref_slice %arg2[%mul3A_22] : memref<640000xi32, #tpu.memory_space<hbm>> -> memref<10000xi32, #tpu.memory_space<hbm>>
    tpu.wait_dma2 semaphore(%arg16 : memref<!tpu.dma_semaphore, #tpu.memory_space<semaphore_mem>>) src(%dma_wait3A_158 : memref<10000xi32, #tpu.memory_space<hbm>>) dst(%arg6 : memref<10000xi32, #tpu.memory_space<vmem>>)
    %dma_wait3A_159 = tpu.memref_slice %arg2[%add3A_138] : memref<640000xi32, #tpu.memory_space<hbm>> -> memref<10000xi32, #tpu.memory_space<hbm>>
    %dma_wait3A_160 = tpu.memref_slice %arg2[%add3A_138] : memref<640000xi32, #tpu.memory_space<hbm>> -> memref<10000xi32, #tpu.memory_space<hbm>>
    tpu.wait_dma2 semaphore(%arg14 : memref<!tpu.dma_semaphore, #tpu.memory_space<semaphore_mem>>) src(%dma_wait3A_160 : memref<10000xi32, #tpu.memory_space<hbm>>) dst(%arg7 : memref<10000xi32, #tpu.memory_space<vmem>>)
    %scan3A_161 = arith.constant 0 : i32
    %scan3A_162 = arith.constant 625 : i32
    %scan3A_163 = arith.addi %scan3A_161, %scan3A_162 : i32
    %scan3A_164 = arith.constant 1 : i32
    scf.for %scan3A_311 = %scan3A_161 to %scan3A_163 step %scan3A_164  : i32 {
      %mul3A_312 = arith.constant 16 : i32
      %mul3A_313 = arith.muli %scan3A_311, %mul3A_312 : i32
      %get3A = arith.index_cast %mul3A_313 : i32 to index
      %get3A_314 = tpu.vector_load %arg6[%get3A] {strides = array<i32>} : memref<10000xi32, #tpu.memory_space<vmem>>, vector<16xi32>,
      %get3A_315 = arith.index_cast %mul3A_313 : i32 to index
      %get3A_316 = tpu.vector_load %arg7[%get3A_315] {strides = array<i32>} : memref<10000xi32, #tpu.memory_space<vmem>>, vector<16xi32>,
      %gather3A = tpu.vector_load_idx %arg12[%get3A_316] : memref<10240xf32, #tpu.memory_space<vmem>>[vector<16xi32>], vector<16xf32>,
      %gather3A_317 = tpu.vector_load_idx %arg11[%get3A_316] : memref<10240xi32, #tpu.memory_space<vmem>>[vector<16xi32>], vector<16xi32>,
      %swap3A = arith.index_cast %mul3A_313 : i32 to index
      %swap3A_318 = tpu.vector_load %arg8[%swap3A] {strides = array<i32>} : memref<10000xf32, #tpu.memory_space<vmem>>, vector<16xf32>,
      tpu.vector_store %arg8[%swap3A], %gather3A {strides = array<i32>} : memref<10000xf32, #tpu.memory_space<vmem>>, vector<16xf32>,
      %mul3A_319 = arith.constant 10240 : i32
      %mul3A_320 = vector.broadcast %mul3A_319 : i32 to vector<16xi32>
      %mul3A_321 = arith.muli %gather3A_317, %mul3A_320 : vector<16xi32>
      %add3A_322 = arith.addi %mul3A_321, %get3A_314 : vector<16xi32>
      %swap3A_323 = arith.index_cast %mul3A_313 : i32 to index
      %swap3A_324 = tpu.vector_load %arg9[%swap3A_323] {strides = array<i32>} : memref<10000xi32, #tpu.memory_space<vmem>>, vector<16xi32>,
      tpu.vector_store %arg9[%swap3A_323], %add3A_322 {strides = array<i32>} : memref<10000xi32, #tpu.memory_space<vmem>>, vector<16xi32>,
    }
    %scan3A_165 = arith.constant 625 : i32
    "tpu.region"() ({
      %run_scoped3A = tpu.sem_alloc : memref<!tpu.dma_semaphore, #tpu.memory_space<semaphore_mem>>
      %dma_start3A_311 = arith.constant 0 : i32
      %dma_start3A_312 = tpu.memref_slice %arg18[%dma_start3A_311] : memref<655360xf32, #tpu.memory_space<vmem_shared>> -> memref<655360xf32, #tpu.memory_space<vmem_shared>>
      tpu.enqueue_indirect_dma source(%arg8 : memref<10000xf32, #tpu.memory_space<vmem>>) target(%dma_start3A_312 : memref<655360xf32, #tpu.memory_space<vmem_shared>>) offsets(%arg9 : memref<10000xi32, #tpu.memory_space<vmem>>) semaphore(%run_scoped3A : memref<!tpu.dma_semaphore, #tpu.memory_space<semaphore_mem>>) {add = true}
      %dma_wait3A_313 = arith.constant 0 : i32
      %dma_wait3A_314 = tpu.memref_slice %arg18[%dma_wait3A_313] : memref<655360xf32, #tpu.memory_space<vmem_shared>> -> memref<655360xf32, #tpu.memory_space<vmem_shared>>
      tpu.wait_indirect_dma semaphore(%run_scoped3A : memref<!tpu.dma_semaphore, #tpu.memory_space<semaphore_mem>>) src(%arg8 : memref<10000xf32, #tpu.memory_space<vmem>>) dst(%dma_wait3A_314 : memref<655360xf32, #tpu.memory_space<vmem_shared>>)
      tpu.yield
    }) : () -> ()
    %barrier3A_166 = arith.constant 0 : index
    tpu.barrier barrier_id(%barrier3A_166)
    %mul3A_167 = arith.constant 16 : i32
    %mul3A_168 = arith.muli %arg1, %mul3A_167 : i32
    %mul3A_169 = arith.constant 2560 : i32
    %mul3A_170 = arith.muli %mul3A_168, %mul3A_169 : i32
    %add3A_171 = arith.constant 0 : i32
    %add3A_172 = arith.addi %mul3A_170, %add3A_171 : i32
    %mul3A_173 = arith.constant 655360 : i32
    %mul3A_174 = arith.muli %arg0, %mul3A_173 : i32
    %add3A_175 = arith.addi %mul3A_174, %add3A_172 : i32
    "tpu.region"() ({
      %run_scoped3A = tpu.sem_alloc : memref<!tpu.dma_semaphore, #tpu.memory_space<semaphore_mem>>
      %dma_start3A_311 = tpu.memref_slice %arg5[%add3A_175] : memref<1310720xf32, #tpu.memory_space<hbm>> -> memref<2560xf32, #tpu.memory_space<hbm>>
      %dma_start3A_312 = tpu.memref_slice %arg18[%add3A_172] : memref<655360xf32, #tpu.memory_space<vmem_shared>> -> memref<2560xf32, #tpu.memory_space<vmem_shared>>
      tpu.enqueue_dma source(%dma_start3A_312 : memref<2560xf32, #tpu.memory_space<vmem_shared>>) target(%dma_start3A_311 : memref<2560xf32, #tpu.memory_space<hbm>>) target_semaphore(%run_scoped3A : memref<!tpu.dma_semaphore, #tpu.memory_space<semaphore_mem>>)
      %dma_wait3A_313 = tpu.memref_slice %arg5[%add3A_175] : memref<1310720xf32, #tpu.memory_space<hbm>> -> memref<2560xf32, #tpu.memory_space<hbm>>
      %dma_wait3A_314 = tpu.memref_slice %arg18[%add3A_172] : memref<655360xf32, #tpu.memory_space<vmem_shared>> -> memref<2560xf32, #tpu.memory_space<vmem_shared>>
      tpu.wait_dma2 semaphore(%run_scoped3A : memref<!tpu.dma_semaphore, #tpu.memory_space<semaphore_mem>>) src(%dma_wait3A_314 : memref<2560xf32, #tpu.memory_space<vmem_shared>>) dst(%dma_wait3A_313 : memref<2560xf32, #tpu.memory_space<hbm>>)
      tpu.yield
    }) : () -> ()
    %mul3A_176 = arith.constant 16 : i32
    %mul3A_177 = arith.muli %arg1, %mul3A_176 : i32
    %mul3A_178 = arith.constant 2560 : i32
    %mul3A_179 = arith.muli %mul3A_177, %mul3A_178 : i32
    %add3A_180 = arith.constant 2560 : i32
    %add3A_181 = arith.addi %mul3A_179, %add3A_180 : i32
    %mul3A_182 = arith.constant 655360 : i32
    %mul3A_183 = arith.muli %arg0, %mul3A_182 : i32
    %add3A_184 = arith.addi %mul3A_183, %add3A_181 : i32
    "tpu.region"() ({
      %run_scoped3A = tpu.sem_alloc : memref<!tpu.dma_semaphore, #tpu.memory_space<semaphore_mem>>
      %dma_start3A_311 = tpu.memref_slice %arg5[%add3A_184] : memref<1310720xf32, #tpu.memory_space<hbm>> -> memref<2560xf32, #tpu.memory_space<hbm>>
      %dma_start3A_312 = tpu.memref_slice %arg18[%add3A_181] : memref<655360xf32, #tpu.memory_space<vmem_shared>> -> memref<2560xf32, #tpu.memory_space<vmem_shared>>
      tpu.enqueue_dma source(%dma_start3A_312 : memref<2560xf32, #tpu.memory_space<vmem_shared>>) target(%dma_start3A_311 : memref<2560xf32, #tpu.memory_space<hbm>>) target_semaphore(%run_scoped3A : memref<!tpu.dma_semaphore, #tpu.memory_space<semaphore_mem>>)
      %dma_wait3A_313 = tpu.memref_slice %arg5[%add3A_184] : memref<1310720xf32, #tpu.memory_space<hbm>> -> memref<2560xf32, #tpu.memory_space<hbm>>
      %dma_wait3A_314 = tpu.memref_slice %arg18[%add3A_181] : memref<655360xf32, #tpu.memory_space<vmem_shared>> -> memref<2560xf32, #tpu.memory_space<vmem_shared>>
      tpu.wait_dma2 semaphore(%run_scoped3A : memref<!tpu.dma_semaphore, #tpu.memory_space<semaphore_mem>>) src(%dma_wait3A_314 : memref<2560xf32, #tpu.memory_space<vmem_shared>>) dst(%dma_wait3A_313 : memref<2560xf32, #tpu.memory_space<hbm>>)
      tpu.yield
    }) : () -> ()
    %mul3A_185 = arith.constant 16 : i32
    %mul3A_186 = arith.muli %arg1, %mul3A_185 : i32
    %mul3A_187 = arith.constant 2560 : i32
    %mul3A_188 = arith.muli %mul3A_186, %mul3A_187 : i32
    %add3A_189 = arith.constant 5120 : i32
    %add3A_190 = arith.addi %mul3A_188, %add3A_189 : i32
    %mul3A_191 = arith.constant 655360 : i32
    %mul3A_192 = arith.muli %arg0, %mul3A_191 : i32
    %add3A_193 = arith.addi %mul3A_192, %add3A_190 : i32
    "tpu.region"() ({
      %run_scoped3A = tpu.sem_alloc : memref<!tpu.dma_semaphore, #tpu.memory_space<semaphore_mem>>
      %dma_start3A_311 = tpu.memref_slice %arg5[%add3A_193] : memref<1310720xf32, #tpu.memory_space<hbm>> -> memref<2560xf32, #tpu.memory_space<hbm>>
      %dma_start3A_312 = tpu.memref_slice %arg18[%add3A_190] : memref<655360xf32, #tpu.memory_space<vmem_shared>> -> memref<2560xf32, #tpu.memory_space<vmem_shared>>
      tpu.enqueue_dma source(%dma_start3A_312 : memref<2560xf32, #tpu.memory_space<vmem_shared>>) target(%dma_start3A_311 : memref<2560xf32, #tpu.memory_space<hbm>>) target_semaphore(%run_scoped3A : memref<!tpu.dma_semaphore, #tpu.memory_space<semaphore_mem>>)
      %dma_wait3A_313 = tpu.memref_slice %arg5[%add3A_193] : memref<1310720xf32, #tpu.memory_space<hbm>> -> memref<2560xf32, #tpu.memory_space<hbm>>
      %dma_wait3A_314 = tpu.memref_slice %arg18[%add3A_190] : memref<655360xf32, #tpu.memory_space<vmem_shared>> -> memref<2560xf32, #tpu.memory_space<vmem_shared>>
      tpu.wait_dma2 semaphore(%run_scoped3A : memref<!tpu.dma_semaphore, #tpu.memory_space<semaphore_mem>>) src(%dma_wait3A_314 : memref<2560xf32, #tpu.memory_space<vmem_shared>>) dst(%dma_wait3A_313 : memref<2560xf32, #tpu.memory_space<hbm>>)
      tpu.yield
    }) : () -> ()
    %mul3A_194 = arith.constant 16 : i32
    %mul3A_195 = arith.muli %arg1, %mul3A_194 : i32
    %mul3A_196 = arith.constant 2560 : i32
    %mul3A_197 = arith.muli %mul3A_195, %mul3A_196 : i32
    %add3A_198 = arith.constant 7680 : i32
    %add3A_199 = arith.addi %mul3A_197, %add3A_198 : i32
    %mul3A_200 = arith.constant 655360 : i32
    %mul3A_201 = arith.muli %arg0, %mul3A_200 : i32
    %add3A_202 = arith.addi %mul3A_201, %add3A_199 : i32
    "tpu.region"() ({
      %run_scoped3A = tpu.sem_alloc : memref<!tpu.dma_semaphore, #tpu.memory_space<semaphore_mem>>
      %dma_start3A_311 = tpu.memref_slice %arg5[%add3A_202] : memref<1310720xf32, #tpu.memory_space<hbm>> -> memref<2560xf32, #tpu.memory_space<hbm>>
      %dma_start3A_312 = tpu.memref_slice %arg18[%add3A_199] : memref<655360xf32, #tpu.memory_space<vmem_shared>> -> memref<2560xf32, #tpu.memory_space<vmem_shared>>
      tpu.enqueue_dma source(%dma_start3A_312 : memref<2560xf32, #tpu.memory_space<vmem_shared>>) target(%dma_start3A_311 : memref<2560xf32, #tpu.memory_space<hbm>>) target_semaphore(%run_scoped3A : memref<!tpu.dma_semaphore, #tpu.memory_space<semaphore_mem>>)
      %dma_wait3A_313 = tpu.memref_slice %arg5[%add3A_202] : memref<1310720xf32, #tpu.memory_space<hbm>> -> memref<2560xf32, #tpu.memory_space<hbm>>
      %dma_wait3A_314 = tpu.memref_slice %arg18[%add3A_199] : memref<655360xf32, #tpu.memory_space<vmem_shared>> -> memref<2560xf32, #tpu.memory_space<vmem_shared>>
      tpu.wait_dma2 semaphore(%run_scoped3A : memref<!tpu.dma_semaphore, #tpu.memory_space<semaphore_mem>>) src(%dma_wait3A_314 : memref<2560xf32, #tpu.memory_space<vmem_shared>>) dst(%dma_wait3A_313 : memref<2560xf32, #tpu.memory_space<hbm>>)
      tpu.yield
    }) : () -> ()
    %mul3A_203 = arith.constant 16 : i32
    %mul3A_204 = arith.muli %arg1, %mul3A_203 : i32
    %mul3A_205 = arith.constant 2560 : i32
    %mul3A_206 = arith.muli %mul3A_204, %mul3A_205 : i32
    %add3A_207 = arith.constant 10240 : i32
    %add3A_208 = arith.addi %mul3A_206, %add3A_207 : i32
    %mul3A_209 = arith.constant 655360 : i32
    %mul3A_210 = arith.muli %arg0, %mul3A_209 : i32
    %add3A_211 = arith.addi %mul3A_210, %add3A_208 : i32
    "tpu.region"() ({
      %run_scoped3A = tpu.sem_alloc : memref<!tpu.dma_semaphore, #tpu.memory_space<semaphore_mem>>
      %dma_start3A_311 = tpu.memref_slice %arg5[%add3A_211] : memref<1310720xf32, #tpu.memory_space<hbm>> -> memref<2560xf32, #tpu.memory_space<hbm>>
      %dma_start3A_312 = tpu.memref_slice %arg18[%add3A_208] : memref<655360xf32, #tpu.memory_space<vmem_shared>> -> memref<2560xf32, #tpu.memory_space<vmem_shared>>
      tpu.enqueue_dma source(%dma_start3A_312 : memref<2560xf32, #tpu.memory_space<vmem_shared>>) target(%dma_start3A_311 : memref<2560xf32, #tpu.memory_space<hbm>>) target_semaphore(%run_scoped3A : memref<!tpu.dma_semaphore, #tpu.memory_space<semaphore_mem>>)
      %dma_wait3A_313 = tpu.memref_slice %arg5[%add3A_211] : memref<1310720xf32, #tpu.memory_space<hbm>> -> memref<2560xf32, #tpu.memory_space<hbm>>
      %dma_wait3A_314 = tpu.memref_slice %arg18[%add3A_208] : memref<655360xf32, #tpu.memory_space<vmem_shared>> -> memref<2560xf32, #tpu.memory_space<vmem_shared>>
      tpu.wait_dma2 semaphore(%run_scoped3A : memref<!tpu.dma_semaphore, #tpu.memory_space<semaphore_mem>>) src(%dma_wait3A_314 : memref<2560xf32, #tpu.memory_space<vmem_shared>>) dst(%dma_wait3A_313 : memref<2560xf32, #tpu.memory_space<hbm>>)
      tpu.yield
    }) : () -> ()
    %mul3A_212 = arith.constant 16 : i32
    %mul3A_213 = arith.muli %arg1, %mul3A_212 : i32
    %mul3A_214 = arith.constant 2560 : i32
    %mul3A_215 = arith.muli %mul3A_213, %mul3A_214 : i32
    %add3A_216 = arith.constant 12800 : i32
    %add3A_217 = arith.addi %mul3A_215, %add3A_216 : i32
    %mul3A_218 = arith.constant 655360 : i32
    %mul3A_219 = arith.muli %arg0, %mul3A_218 : i32
    %add3A_220 = arith.addi %mul3A_219, %add3A_217 : i32
    "tpu.region"() ({
      %run_scoped3A = tpu.sem_alloc : memref<!tpu.dma_semaphore, #tpu.memory_space<semaphore_mem>>
      %dma_start3A_311 = tpu.memref_slice %arg5[%add3A_220] : memref<1310720xf32, #tpu.memory_space<hbm>> -> memref<2560xf32, #tpu.memory_space<hbm>>
      %dma_start3A_312 = tpu.memref_slice %arg18[%add3A_217] : memref<655360xf32, #tpu.memory_space<vmem_shared>> -> memref<2560xf32, #tpu.memory_space<vmem_shared>>
      tpu.enqueue_dma source(%dma_start3A_312 : memref<2560xf32, #tpu.memory_space<vmem_shared>>) target(%dma_start3A_311 : memref<2560xf32, #tpu.memory_space<hbm>>) target_semaphore(%run_scoped3A : memref<!tpu.dma_semaphore, #tpu.memory_space<semaphore_mem>>)
      %dma_wait3A_313 = tpu.memref_slice %arg5[%add3A_220] : memref<1310720xf32, #tpu.memory_space<hbm>> -> memref<2560xf32, #tpu.memory_space<hbm>>
      %dma_wait3A_314 = tpu.memref_slice %arg18[%add3A_217] : memref<655360xf32, #tpu.memory_space<vmem_shared>> -> memref<2560xf32, #tpu.memory_space<vmem_shared>>
      tpu.wait_dma2 semaphore(%run_scoped3A : memref<!tpu.dma_semaphore, #tpu.memory_space<semaphore_mem>>) src(%dma_wait3A_314 : memref<2560xf32, #tpu.memory_space<vmem_shared>>) dst(%dma_wait3A_313 : memref<2560xf32, #tpu.memory_space<hbm>>)
      tpu.yield
    }) : () -> ()
    %mul3A_221 = arith.constant 16 : i32
    %mul3A_222 = arith.muli %arg1, %mul3A_221 : i32
    %mul3A_223 = arith.constant 2560 : i32
    %mul3A_224 = arith.muli %mul3A_222, %mul3A_223 : i32
    %add3A_225 = arith.constant 15360 : i32
    %add3A_226 = arith.addi %mul3A_224, %add3A_225 : i32
    %mul3A_227 = arith.constant 655360 : i32
    %mul3A_228 = arith.muli %arg0, %mul3A_227 : i32
    %add3A_229 = arith.addi %mul3A_228, %add3A_226 : i32
    "tpu.region"() ({
      %run_scoped3A = tpu.sem_alloc : memref<!tpu.dma_semaphore, #tpu.memory_space<semaphore_mem>>
      %dma_start3A_311 = tpu.memref_slice %arg5[%add3A_229] : memref<1310720xf32, #tpu.memory_space<hbm>> -> memref<2560xf32, #tpu.memory_space<hbm>>
      %dma_start3A_312 = tpu.memref_slice %arg18[%add3A_226] : memref<655360xf32, #tpu.memory_space<vmem_shared>> -> memref<2560xf32, #tpu.memory_space<vmem_shared>>
      tpu.enqueue_dma source(%dma_start3A_312 : memref<2560xf32, #tpu.memory_space<vmem_shared>>) target(%dma_start3A_311 : memref<2560xf32, #tpu.memory_space<hbm>>) target_semaphore(%run_scoped3A : memref<!tpu.dma_semaphore, #tpu.memory_space<semaphore_mem>>)
      %dma_wait3A_313 = tpu.memref_slice %arg5[%add3A_229] : memref<1310720xf32, #tpu.memory_space<hbm>> -> memref<2560xf32, #tpu.memory_space<hbm>>
      %dma_wait3A_314 = tpu.memref_slice %arg18[%add3A_226] : memref<655360xf32, #tpu.memory_space<vmem_shared>> -> memref<2560xf32, #tpu.memory_space<vmem_shared>>
      tpu.wait_dma2 semaphore(%run_scoped3A : memref<!tpu.dma_semaphore, #tpu.memory_space<semaphore_mem>>) src(%dma_wait3A_314 : memref<2560xf32, #tpu.memory_space<vmem_shared>>) dst(%dma_wait3A_313 : memref<2560xf32, #tpu.memory_space<hbm>>)
      tpu.yield
    }) : () -> ()
    %mul3A_230 = arith.constant 16 : i32
    %mul3A_231 = arith.muli %arg1, %mul3A_230 : i32
    %mul3A_232 = arith.constant 2560 : i32
    %mul3A_233 = arith.muli %mul3A_231, %mul3A_232 : i32
    %add3A_234 = arith.constant 17920 : i32
    %add3A_235 = arith.addi %mul3A_233, %add3A_234 : i32
    %mul3A_236 = arith.constant 655360 : i32
    %mul3A_237 = arith.muli %arg0, %mul3A_236 : i32
    %add3A_238 = arith.addi %mul3A_237, %add3A_235 : i32
    "tpu.region"() ({
      %run_scoped3A = tpu.sem_alloc : memref<!tpu.dma_semaphore, #tpu.memory_space<semaphore_mem>>
      %dma_start3A_311 = tpu.memref_slice %arg5[%add3A_238] : memref<1310720xf32, #tpu.memory_space<hbm>> -> memref<2560xf32, #tpu.memory_space<hbm>>
      %dma_start3A_312 = tpu.memref_slice %arg18[%add3A_235] : memref<655360xf32, #tpu.memory_space<vmem_shared>> -> memref<2560xf32, #tpu.memory_space<vmem_shared>>
      tpu.enqueue_dma source(%dma_start3A_312 : memref<2560xf32, #tpu.memory_space<vmem_shared>>) target(%dma_start3A_311 : memref<2560xf32, #tpu.memory_space<hbm>>) target_semaphore(%run_scoped3A : memref<!tpu.dma_semaphore, #tpu.memory_space<semaphore_mem>>)
      %dma_wait3A_313 = tpu.memref_slice %arg5[%add3A_238] : memref<1310720xf32, #tpu.memory_space<hbm>> -> memref<2560xf32, #tpu.memory_space<hbm>>
      %dma_wait3A_314 = tpu.memref_slice %arg18[%add3A_235] : memref<655360xf32, #tpu.memory_space<vmem_shared>> -> memref<2560xf32, #tpu.memory_space<vmem_shared>>
      tpu.wait_dma2 semaphore(%run_scoped3A : memref<!tpu.dma_semaphore, #tpu.memory_space<semaphore_mem>>) src(%dma_wait3A_314 : memref<2560xf32, #tpu.memory_space<vmem_shared>>) dst(%dma_wait3A_313 : memref<2560xf32, #tpu.memory_space<hbm>>)
      tpu.yield
    }) : () -> ()
    %mul3A_239 = arith.constant 16 : i32
    %mul3A_240 = arith.muli %arg1, %mul3A_239 : i32
    %mul3A_241 = arith.constant 2560 : i32
    %mul3A_242 = arith.muli %mul3A_240, %mul3A_241 : i32
    %add3A_243 = arith.constant 20480 : i32
    %add3A_244 = arith.addi %mul3A_242, %add3A_243 : i32
    %mul3A_245 = arith.constant 655360 : i32
    %mul3A_246 = arith.muli %arg0, %mul3A_245 : i32
    %add3A_247 = arith.addi %mul3A_246, %add3A_244 : i32
    "tpu.region"() ({
      %run_scoped3A = tpu.sem_alloc : memref<!tpu.dma_semaphore, #tpu.memory_space<semaphore_mem>>
      %dma_start3A_311 = tpu.memref_slice %arg5[%add3A_247] : memref<1310720xf32, #tpu.memory_space<hbm>> -> memref<2560xf32, #tpu.memory_space<hbm>>
      %dma_start3A_312 = tpu.memref_slice %arg18[%add3A_244] : memref<655360xf32, #tpu.memory_space<vmem_shared>> -> memref<2560xf32, #tpu.memory_space<vmem_shared>>
      tpu.enqueue_dma source(%dma_start3A_312 : memref<2560xf32, #tpu.memory_space<vmem_shared>>) target(%dma_start3A_311 : memref<2560xf32, #tpu.memory_space<hbm>>) target_semaphore(%run_scoped3A : memref<!tpu.dma_semaphore, #tpu.memory_space<semaphore_mem>>)
      %dma_wait3A_313 = tpu.memref_slice %arg5[%add3A_247] : memref<1310720xf32, #tpu.memory_space<hbm>> -> memref<2560xf32, #tpu.memory_space<hbm>>
      %dma_wait3A_314 = tpu.memref_slice %arg18[%add3A_244] : memref<655360xf32, #tpu.memory_space<vmem_shared>> -> memref<2560xf32, #tpu.memory_space<vmem_shared>>
      tpu.wait_dma2 semaphore(%run_scoped3A : memref<!tpu.dma_semaphore, #tpu.memory_space<semaphore_mem>>) src(%dma_wait3A_314 : memref<2560xf32, #tpu.memory_space<vmem_shared>>) dst(%dma_wait3A_313 : memref<2560xf32, #tpu.memory_space<hbm>>)
      tpu.yield
    }) : () -> ()
    %mul3A_248 = arith.constant 16 : i32
    %mul3A_249 = arith.muli %arg1, %mul3A_248 : i32
    %mul3A_250 = arith.constant 2560 : i32
    %mul3A_251 = arith.muli %mul3A_249, %mul3A_250 : i32
    %add3A_252 = arith.constant 23040 : i32
    %add3A_253 = arith.addi %mul3A_251, %add3A_252 : i32
    %mul3A_254 = arith.constant 655360 : i32
    %mul3A_255 = arith.muli %arg0, %mul3A_254 : i32
    %add3A_256 = arith.addi %mul3A_255, %add3A_253 : i32
    "tpu.region"() ({
      %run_scoped3A = tpu.sem_alloc : memref<!tpu.dma_semaphore, #tpu.memory_space<semaphore_mem>>
      %dma_start3A_311 = tpu.memref_slice %arg5[%add3A_256] : memref<1310720xf32, #tpu.memory_space<hbm>> -> memref<2560xf32, #tpu.memory_space<hbm>>
      %dma_start3A_312 = tpu.memref_slice %arg18[%add3A_253] : memref<655360xf32, #tpu.memory_space<vmem_shared>> -> memref<2560xf32, #tpu.memory_space<vmem_shared>>
      tpu.enqueue_dma source(%dma_start3A_312 : memref<2560xf32, #tpu.memory_space<vmem_shared>>) target(%dma_start3A_311 : memref<2560xf32, #tpu.memory_space<hbm>>) target_semaphore(%run_scoped3A : memref<!tpu.dma_semaphore, #tpu.memory_space<semaphore_mem>>)
      %dma_wait3A_313 = tpu.memref_slice %arg5[%add3A_256] : memref<1310720xf32, #tpu.memory_space<hbm>> -> memref<2560xf32, #tpu.memory_space<hbm>>
      %dma_wait3A_314 = tpu.memref_slice %arg18[%add3A_253] : memref<655360xf32, #tpu.memory_space<vmem_shared>> -> memref<2560xf32, #tpu.memory_space<vmem_shared>>
      tpu.wait_dma2 semaphore(%run_scoped3A : memref<!tpu.dma_semaphore, #tpu.memory_space<semaphore_mem>>) src(%dma_wait3A_314 : memref<2560xf32, #tpu.memory_space<vmem_shared>>) dst(%dma_wait3A_313 : memref<2560xf32, #tpu.memory_space<hbm>>)
      tpu.yield
    }) : () -> ()
    %mul3A_257 = arith.constant 16 : i32
    %mul3A_258 = arith.muli %arg1, %mul3A_257 : i32
    %mul3A_259 = arith.constant 2560 : i32
    %mul3A_260 = arith.muli %mul3A_258, %mul3A_259 : i32
    %add3A_261 = arith.constant 25600 : i32
    %add3A_262 = arith.addi %mul3A_260, %add3A_261 : i32
    %mul3A_263 = arith.constant 655360 : i32
    %mul3A_264 = arith.muli %arg0, %mul3A_263 : i32
    %add3A_265 = arith.addi %mul3A_264, %add3A_262 : i32
    "tpu.region"() ({
      %run_scoped3A = tpu.sem_alloc : memref<!tpu.dma_semaphore, #tpu.memory_space<semaphore_mem>>
      %dma_start3A_311 = tpu.memref_slice %arg5[%add3A_265] : memref<1310720xf32, #tpu.memory_space<hbm>> -> memref<2560xf32, #tpu.memory_space<hbm>>
      %dma_start3A_312 = tpu.memref_slice %arg18[%add3A_262] : memref<655360xf32, #tpu.memory_space<vmem_shared>> -> memref<2560xf32, #tpu.memory_space<vmem_shared>>
      tpu.enqueue_dma source(%dma_start3A_312 : memref<2560xf32, #tpu.memory_space<vmem_shared>>) target(%dma_start3A_311 : memref<2560xf32, #tpu.memory_space<hbm>>) target_semaphore(%run_scoped3A : memref<!tpu.dma_semaphore, #tpu.memory_space<semaphore_mem>>)
      %dma_wait3A_313 = tpu.memref_slice %arg5[%add3A_265] : memref<1310720xf32, #tpu.memory_space<hbm>> -> memref<2560xf32, #tpu.memory_space<hbm>>
      %dma_wait3A_314 = tpu.memref_slice %arg18[%add3A_262] : memref<655360xf32, #tpu.memory_space<vmem_shared>> -> memref<2560xf32, #tpu.memory_space<vmem_shared>>
      tpu.wait_dma2 semaphore(%run_scoped3A : memref<!tpu.dma_semaphore, #tpu.memory_space<semaphore_mem>>) src(%dma_wait3A_314 : memref<2560xf32, #tpu.memory_space<vmem_shared>>) dst(%dma_wait3A_313 : memref<2560xf32, #tpu.memory_space<hbm>>)
      tpu.yield
    }) : () -> ()
    %mul3A_266 = arith.constant 16 : i32
    %mul3A_267 = arith.muli %arg1, %mul3A_266 : i32
    %mul3A_268 = arith.constant 2560 : i32
    %mul3A_269 = arith.muli %mul3A_267, %mul3A_268 : i32
    %add3A_270 = arith.constant 28160 : i32
    %add3A_271 = arith.addi %mul3A_269, %add3A_270 : i32
    %mul3A_272 = arith.constant 655360 : i32
    %mul3A_273 = arith.muli %arg0, %mul3A_272 : i32
    %add3A_274 = arith.addi %mul3A_273, %add3A_271 : i32
    "tpu.region"() ({
      %run_scoped3A = tpu.sem_alloc : memref<!tpu.dma_semaphore, #tpu.memory_space<semaphore_mem>>
      %dma_start3A_311 = tpu.memref_slice %arg5[%add3A_274] : memref<1310720xf32, #tpu.memory_space<hbm>> -> memref<2560xf32, #tpu.memory_space<hbm>>
      %dma_start3A_312 = tpu.memref_slice %arg18[%add3A_271] : memref<655360xf32, #tpu.memory_space<vmem_shared>> -> memref<2560xf32, #tpu.memory_space<vmem_shared>>
      tpu.enqueue_dma source(%dma_start3A_312 : memref<2560xf32, #tpu.memory_space<vmem_shared>>) target(%dma_start3A_311 : memref<2560xf32, #tpu.memory_space<hbm>>) target_semaphore(%run_scoped3A : memref<!tpu.dma_semaphore, #tpu.memory_space<semaphore_mem>>)
      %dma_wait3A_313 = tpu.memref_slice %arg5[%add3A_274] : memref<1310720xf32, #tpu.memory_space<hbm>> -> memref<2560xf32, #tpu.memory_space<hbm>>
      %dma_wait3A_314 = tpu.memref_slice %arg18[%add3A_271] : memref<655360xf32, #tpu.memory_space<vmem_shared>> -> memref<2560xf32, #tpu.memory_space<vmem_shared>>
      tpu.wait_dma2 semaphore(%run_scoped3A : memref<!tpu.dma_semaphore, #tpu.memory_space<semaphore_mem>>) src(%dma_wait3A_314 : memref<2560xf32, #tpu.memory_space<vmem_shared>>) dst(%dma_wait3A_313 : memref<2560xf32, #tpu.memory_space<hbm>>)
      tpu.yield
    }) : () -> ()
    %mul3A_275 = arith.constant 16 : i32
    %mul3A_276 = arith.muli %arg1, %mul3A_275 : i32
    %mul3A_277 = arith.constant 2560 : i32
    %mul3A_278 = arith.muli %mul3A_276, %mul3A_277 : i32
    %add3A_279 = arith.constant 30720 : i32
    %add3A_280 = arith.addi %mul3A_278, %add3A_279 : i32
    %mul3A_281 = arith.constant 655360 : i32
    %mul3A_282 = arith.muli %arg0, %mul3A_281 : i32
    %add3A_283 = arith.addi %mul3A_282, %add3A_280 : i32
    "tpu.region"() ({
      %run_scoped3A = tpu.sem_alloc : memref<!tpu.dma_semaphore, #tpu.memory_space<semaphore_mem>>
      %dma_start3A_311 = tpu.memref_slice %arg5[%add3A_283] : memref<1310720xf32, #tpu.memory_space<hbm>> -> memref<2560xf32, #tpu.memory_space<hbm>>
      %dma_start3A_312 = tpu.memref_slice %arg18[%add3A_280] : memref<655360xf32, #tpu.memory_space<vmem_shared>> -> memref<2560xf32, #tpu.memory_space<vmem_shared>>
      tpu.enqueue_dma source(%dma_start3A_312 : memref<2560xf32, #tpu.memory_space<vmem_shared>>) target(%dma_start3A_311 : memref<2560xf32, #tpu.memory_space<hbm>>) target_semaphore(%run_scoped3A : memref<!tpu.dma_semaphore, #tpu.memory_space<semaphore_mem>>)
      %dma_wait3A_313 = tpu.memref_slice %arg5[%add3A_283] : memref<1310720xf32, #tpu.memory_space<hbm>> -> memref<2560xf32, #tpu.memory_space<hbm>>
      %dma_wait3A_314 = tpu.memref_slice %arg18[%add3A_280] : memref<655360xf32, #tpu.memory_space<vmem_shared>> -> memref<2560xf32, #tpu.memory_space<vmem_shared>>
      tpu.wait_dma2 semaphore(%run_scoped3A : memref<!tpu.dma_semaphore, #tpu.memory_space<semaphore_mem>>) src(%dma_wait3A_314 : memref<2560xf32, #tpu.memory_space<vmem_shared>>) dst(%dma_wait3A_313 : memref<2560xf32, #tpu.memory_space<hbm>>)
      tpu.yield
    }) : () -> ()
    %mul3A_284 = arith.constant 16 : i32
    %mul3A_285 = arith.muli %arg1, %mul3A_284 : i32
    %mul3A_286 = arith.constant 2560 : i32
    %mul3A_287 = arith.muli %mul3A_285, %mul3A_286 : i32
    %add3A_288 = arith.constant 33280 : i32
    %add3A_289 = arith.addi %mul3A_287, %add3A_288 : i32
    %mul3A_290 = arith.constant 655360 : i32
    %mul3A_291 = arith.muli %arg0, %mul3A_290 : i32
    %add3A_292 = arith.addi %mul3A_291, %add3A_289 : i32
    "tpu.region"() ({
      %run_scoped3A = tpu.sem_alloc : memref<!tpu.dma_semaphore, #tpu.memory_space<semaphore_mem>>
      %dma_start3A_311 = tpu.memref_slice %arg5[%add3A_292] : memref<1310720xf32, #tpu.memory_space<hbm>> -> memref<2560xf32, #tpu.memory_space<hbm>>
      %dma_start3A_312 = tpu.memref_slice %arg18[%add3A_289] : memref<655360xf32, #tpu.memory_space<vmem_shared>> -> memref<2560xf32, #tpu.memory_space<vmem_shared>>
      tpu.enqueue_dma source(%dma_start3A_312 : memref<2560xf32, #tpu.memory_space<vmem_shared>>) target(%dma_start3A_311 : memref<2560xf32, #tpu.memory_space<hbm>>) target_semaphore(%run_scoped3A : memref<!tpu.dma_semaphore, #tpu.memory_space<semaphore_mem>>)
      %dma_wait3A_313 = tpu.memref_slice %arg5[%add3A_292] : memref<1310720xf32, #tpu.memory_space<hbm>> -> memref<2560xf32, #tpu.memory_space<hbm>>
      %dma_wait3A_314 = tpu.memref_slice %arg18[%add3A_289] : memref<655360xf32, #tpu.memory_space<vmem_shared>> -> memref<2560xf32, #tpu.memory_space<vmem_shared>>
      tpu.wait_dma2 semaphore(%run_scoped3A : memref<!tpu.dma_semaphore, #tpu.memory_space<semaphore_mem>>) src(%dma_wait3A_314 : memref<2560xf32, #tpu.memory_space<vmem_shared>>) dst(%dma_wait3A_313 : memref<2560xf32, #tpu.memory_space<hbm>>)
      tpu.yield
    }) : () -> ()
    %mul3A_293 = arith.constant 16 : i32
    %mul3A_294 = arith.muli %arg1, %mul3A_293 : i32
    %mul3A_295 = arith.constant 2560 : i32
    %mul3A_296 = arith.muli %mul3A_294, %mul3A_295 : i32
    %add3A_297 = arith.constant 35840 : i32
    %add3A_298 = arith.addi %mul3A_296, %add3A_297 : i32
    %mul3A_299 = arith.constant 655360 : i32
    %mul3A_300 = arith.muli %arg0, %mul3A_299 : i32
    %add3A_301 = arith.addi %mul3A_300, %add3A_298 : i32
    "tpu.region"() ({
      %run_scoped3A = tpu.sem_alloc : memref<!tpu.dma_semaphore, #tpu.memory_space<semaphore_mem>>
      %dma_start3A_311 = tpu.memref_slice %arg5[%add3A_301] : memref<1310720xf32, #tpu.memory_space<hbm>> -> memref<2560xf32, #tpu.memory_space<hbm>>
      %dma_start3A_312 = tpu.memref_slice %arg18[%add3A_298] : memref<655360xf32, #tpu.memory_space<vmem_shared>> -> memref<2560xf32, #tpu.memory_space<vmem_shared>>
      tpu.enqueue_dma source(%dma_start3A_312 : memref<2560xf32, #tpu.memory_space<vmem_shared>>) target(%dma_start3A_311 : memref<2560xf32, #tpu.memory_space<hbm>>) target_semaphore(%run_scoped3A : memref<!tpu.dma_semaphore, #tpu.memory_space<semaphore_mem>>)
      %dma_wait3A_313 = tpu.memref_slice %arg5[%add3A_301] : memref<1310720xf32, #tpu.memory_space<hbm>> -> memref<2560xf32, #tpu.memory_space<hbm>>
      %dma_wait3A_314 = tpu.memref_slice %arg18[%add3A_298] : memref<655360xf32, #tpu.memory_space<vmem_shared>> -> memref<2560xf32, #tpu.memory_space<vmem_shared>>
      tpu.wait_dma2 semaphore(%run_scoped3A : memref<!tpu.dma_semaphore, #tpu.memory_space<semaphore_mem>>) src(%dma_wait3A_314 : memref<2560xf32, #tpu.memory_space<vmem_shared>>) dst(%dma_wait3A_313 : memref<2560xf32, #tpu.memory_space<hbm>>)
      tpu.yield
    }) : () -> ()
    %mul3A_302 = arith.constant 16 : i32
    %mul3A_303 = arith.muli %arg1, %mul3A_302 : i32
    %mul3A_304 = arith.constant 2560 : i32
    %mul3A_305 = arith.muli %mul3A_303, %mul3A_304 : i32
    %add3A_306 = arith.constant 38400 : i32
    %add3A_307 = arith.addi %mul3A_305, %add3A_306 : i32
    %mul3A_308 = arith.constant 655360 : i32
    %mul3A_309 = arith.muli %arg0, %mul3A_308 : i32
    %add3A_310 = arith.addi %mul3A_309, %add3A_307 : i32
    "tpu.region"() ({
      %run_scoped3A = tpu.sem_alloc : memref<!tpu.dma_semaphore, #tpu.memory_space<semaphore_mem>>
      %dma_start3A_311 = tpu.memref_slice %arg5[%add3A_310] : memref<1310720xf32, #tpu.memory_space<hbm>> -> memref<2560xf32, #tpu.memory_space<hbm>>
      %dma_start3A_312 = tpu.memref_slice %arg18[%add3A_307] : memref<655360xf32, #tpu.memory_space<vmem_shared>> -> memref<2560xf32, #tpu.memory_space<vmem_shared>>
      tpu.enqueue_dma source(%dma_start3A_312 : memref<2560xf32, #tpu.memory_space<vmem_shared>>) target(%dma_start3A_311 : memref<2560xf32, #tpu.memory_space<hbm>>) target_semaphore(%run_scoped3A : memref<!tpu.dma_semaphore, #tpu.memory_space<semaphore_mem>>)
      %dma_wait3A_313 = tpu.memref_slice %arg5[%add3A_310] : memref<1310720xf32, #tpu.memory_space<hbm>> -> memref<2560xf32, #tpu.memory_space<hbm>>
      %dma_wait3A_314 = tpu.memref_slice %arg18[%add3A_307] : memref<655360xf32, #tpu.memory_space<vmem_shared>> -> memref<2560xf32, #tpu.memory_space<vmem_shared>>
      tpu.wait_dma2 semaphore(%run_scoped3A : memref<!tpu.dma_semaphore, #tpu.memory_space<semaphore_mem>>) src(%dma_wait3A_314 : memref<2560xf32, #tpu.memory_space<vmem_shared>>) dst(%dma_wait3A_313 : memref<2560xf32, #tpu.memory_space<hbm>>)
      tpu.yield
    }) : () -> ()
    return
  }
}

module attributes {stable_mosaic.version = 14 : i64} {
  func.func @_xw_body(%arg0: i32, %arg1: memref<1024x128xf32, #tpu.memory_space<vmem>>, %arg2: memref<128x128xf32, #tpu.memory_space<vmem>>, %arg3: memref<1024x1xf32, #tpu.memory_space<vmem>>, %arg4: memref<1024x128xf32, #tpu.memory_space<vmem>>) attributes {dimension_semantics = [#tpu.dimension_semantics<arbitrary>], iteration_bounds = array<i64: 10>, scalar_prefetch = 0 : i64, scratch_operands = 0 : i64, tpu.core_type = #tpu.core_type<tc>, window_params = [{transform_indices = @transform_0, window_bounds = array<i64: 1024, 128>}, {pipeline_mode = #tpu.pipeline_mode<synchronous>, transform_indices = @transform_1, window_bounds = array<i64: 128, 128>}, {transform_indices = @transform_2, window_bounds = array<i64: 1024, 1>}, {transform_indices = @transform_3, window_bounds = array<i64: 1024, 128>}]} {
    %get3A = arith.constant 0 : index
    %get3A_0 = arith.constant 0 : index
    %get3A_1 = vector.load %arg3[%get3A, %get3A_0] : memref<1024x1xf32, #tpu.memory_space<vmem>>, vector<1024x1xf32>
    %get3A_2 = arith.constant 0 : index
    %get3A_3 = arith.constant 0 : index
    %get3A_4 = vector.load %arg1[%get3A_2, %get3A_3] : memref<1024x128xf32, #tpu.memory_space<vmem>>, vector<1024x128xf32>
    %get3A_5 = arith.constant 0 : index
    %get3A_6 = arith.constant 0 : index
    %get3A_7 = vector.load %arg2[%get3A_5, %get3A_6] : memref<128x128xf32, #tpu.memory_space<vmem>>, vector<128x128xf32>
    %dot_general3A = arith.constant dense<0.000000e+00> : vector<1024x128xf32>
    %dot_general3A_8 = tpu.matmul %get3A_4, %get3A_7, %dot_general3A {dimension_numbers = #tpu.dot_dimension_numbers<[1], [0], [0], [1], [0, 0, 1, 1], [], []>, transpose_lhs_hint = false} : vector<1024x128xf32>, vector<128x128xf32>, vector<1024x128xf32> -> vector<1024x128xf32>
    %mul3A = vector.broadcast %get3A_1 : vector<1024x1xf32> to vector<1024x128xf32>
    %mul3A_9 = arith.mulf %mul3A, %dot_general3A_8 : vector<1024x128xf32>
    %swap3A = arith.constant 0 : index
    %swap3A_10 = arith.constant 0 : index
    %swap3A_11 = vector.load %arg4[%swap3A, %swap3A_10] : memref<1024x128xf32, #tpu.memory_space<vmem>>, vector<1024x128xf32>
    tpu.vector_store %arg4[%swap3A, %swap3A_10], %mul3A_9 {strides = array<i32>} : memref<1024x128xf32, #tpu.memory_space<vmem>>, vector<1024x128xf32>,
    return
  }
  func.func @transform_0(%arg0: i32) -> (i32, i32) {
    %c0_i32 = arith.constant 0 : i32
    %c0_i32_0 = arith.constant 0 : i32
    return %arg0, %c0_i32 : i32, i32
  }
  func.func @transform_1(%arg0: i32) -> (i32, i32) {
    %c0_i32 = arith.constant 0 : i32
    %c0_i32_0 = arith.constant 0 : i32
    %c0_i32_1 = arith.constant 0 : i32
    return %c0_i32, %c0_i32_0 : i32, i32
  }
  func.func @transform_2(%arg0: i32) -> (i32, i32) {
    %c0_i32 = arith.constant 0 : i32
    %c0_i32_0 = arith.constant 0 : i32
    return %arg0, %c0_i32 : i32, i32
  }
  func.func @transform_3(%arg0: i32) -> (i32, i32) {
    %c0_i32 = arith.constant 0 : i32
    %c0_i32_0 = arith.constant 0 : i32
    return %arg0, %c0_i32 : i32, i32
  }
}

module attributes {stable_mosaic.version = 14 : i64} {
  func.func @_final_body(%arg0: i32, %arg1: memref<1024x128xf32, #tpu.memory_space<vmem>>, %arg2: memref<2x1024x128xf32, #tpu.memory_space<vmem>>, %arg3: memref<1024x1xf32, #tpu.memory_space<vmem>>, %arg4: memref<1024x1xi32, #tpu.memory_space<vmem>>, %arg5: memref<2x64x1024xf32, #tpu.memory_space<vmem>>, %arg6: memref<1x128xf32, #tpu.memory_space<vmem>>, %arg7: memref<128x128xf32, #tpu.memory_space<vmem>>, %arg8: memref<1x128xf32, #tpu.memory_space<vmem>>, %arg9: memref<64x128xf32, #tpu.memory_space<vmem>>, %arg10: memref<64x128xf32, #tpu.memory_space<vmem>>, %arg11: memref<64x128xf32, #tpu.memory_space<vmem>>, %arg12: memref<64x128xf32, #tpu.memory_space<vmem>>) attributes {dimension_semantics = [#tpu.dimension_semantics<arbitrary>], iteration_bounds = array<i64: 10>, scalar_prefetch = 0 : i64, scratch_operands = 3 : i64, tpu.core_type = #tpu.core_type<tc>, window_params = [{transform_indices = @transform_0, window_bounds = array<i64: 1024, 128>}, {transform_indices = @transform_1, window_bounds = array<i64: 2, 1024, 128>}, {transform_indices = @transform_2, window_bounds = array<i64: 1024, 1>}, {transform_indices = @transform_3, window_bounds = array<i64: 1024, 1>}, {transform_indices = @transform_4, window_bounds = array<i64: 2, 64, 1024>}, {pipeline_mode = #tpu.pipeline_mode<synchronous>, transform_indices = @transform_5, window_bounds = array<i64: 1, 128>}, {pipeline_mode = #tpu.pipeline_mode<synchronous>, transform_indices = @transform_6, window_bounds = array<i64: 128, 128>}, {pipeline_mode = #tpu.pipeline_mode<synchronous>, transform_indices = @transform_7, window_bounds = array<i64: 1, 128>}, {pipeline_mode = #tpu.pipeline_mode<synchronous>, transform_indices = @transform_8, window_bounds = array<i64: 64, 128>}]} {
    %eq3A = arith.constant 0 : i32
    %eq3A_0 = arith.cmpi eq, %arg0, %eq3A : i32
    %convert_element_type3A = arith.extui %eq3A_0 : i1 to i32
    %cond3A = arith.constant 0 : i32
    %cond3A_1 = arith.cmpi ne, %convert_element_type3A, %cond3A : i32
    scf.if %cond3A_1 {
      %broadcast_in_dim3A_79 = arith.constant 0.000000e+00 : f32
      %broadcast_in_dim3A_80 = vector.broadcast %broadcast_in_dim3A_79 : f32 to vector<64x128xf32>
      %swap3A_81 = arith.constant 0 : index
      %swap3A_82 = arith.constant 0 : index
      %swap3A_83 = vector.load %arg10[%swap3A_81, %swap3A_82] : memref<64x128xf32, #tpu.memory_space<vmem>>, vector<64x128xf32>
      tpu.vector_store %arg10[%swap3A_81, %swap3A_82], %broadcast_in_dim3A_80 {strides = array<i32>} : memref<64x128xf32, #tpu.memory_space<vmem>>, vector<64x128xf32>,
      %broadcast_in_dim3A_84 = arith.constant 0.000000e+00 : f32
      %broadcast_in_dim3A_85 = vector.broadcast %broadcast_in_dim3A_84 : f32 to vector<64x128xf32>
      %swap3A_86 = arith.constant 0 : index
      %swap3A_87 = arith.constant 0 : index
      %swap3A_88 = vector.load %arg11[%swap3A_86, %swap3A_87] : memref<64x128xf32, #tpu.memory_space<vmem>>, vector<64x128xf32>
      tpu.vector_store %arg11[%swap3A_86, %swap3A_87], %broadcast_in_dim3A_85 {strides = array<i32>} : memref<64x128xf32, #tpu.memory_space<vmem>>, vector<64x128xf32>,
      %broadcast_in_dim3A_89 = arith.constant 0.000000e+00 : f32
      %broadcast_in_dim3A_90 = vector.broadcast %broadcast_in_dim3A_89 : f32 to vector<64x128xf32>
      %swap3A_91 = arith.constant 0 : index
      %swap3A_92 = arith.constant 0 : index
      %swap3A_93 = vector.load %arg12[%swap3A_91, %swap3A_92] : memref<64x128xf32, #tpu.memory_space<vmem>>, vector<64x128xf32>
      tpu.vector_store %arg12[%swap3A_91, %swap3A_92], %broadcast_in_dim3A_90 {strides = array<i32>} : memref<64x128xf32, #tpu.memory_space<vmem>>, vector<64x128xf32>,
    } else {
    }
    %get3A = arith.constant 0 : index
    %get3A_2 = arith.constant 0 : index
    %get3A_3 = vector.load %arg1[%get3A, %get3A_2] : memref<1024x128xf32, #tpu.memory_space<vmem>>, vector<1024x128xf32>
    %get3A_4 = arith.constant 0 : index
    %get3A_5 = arith.constant 0 : index
    %get3A_6 = arith.constant 0 : index
    %get3A_7 = vector.load %arg2[%get3A_4, %get3A_5, %get3A_6] : memref<2x1024x128xf32, #tpu.memory_space<vmem>>, vector<1x1024x128xf32>
    %get3A_8 = vector.shape_cast %get3A_7 : vector<1x1024x128xf32> to vector<1024x128xf32>
    %get3A_9 = arith.constant 1 : index
    %get3A_10 = arith.constant 0 : index
    %get3A_11 = arith.constant 0 : index
    %get3A_12 = vector.load %arg2[%get3A_9, %get3A_10, %get3A_11] : memref<2x1024x128xf32, #tpu.memory_space<vmem>>, vector<1x1024x128xf32>
    %get3A_13 = vector.shape_cast %get3A_12 : vector<1x1024x128xf32> to vector<1024x128xf32>
    %add3A = arith.addf %get3A_8, %get3A_13 : vector<1024x128xf32>
    %get3A_14 = arith.constant 0 : index
    %get3A_15 = arith.constant 0 : index
    %get3A_16 = vector.load %arg3[%get3A_14, %get3A_15] : memref<1024x1xf32, #tpu.memory_space<vmem>>, vector<1024x1xf32>
    %add3A_17 = arith.addf %get3A_3, %add3A : vector<1024x128xf32>
    %mul3A = vector.broadcast %get3A_16 : vector<1024x1xf32> to vector<1024x128xf32>
    %mul3A_18 = arith.mulf %mul3A, %add3A_17 : vector<1024x128xf32>
    %get3A_19 = arith.constant 0 : index
    %get3A_20 = arith.constant 0 : index
    %get3A_21 = vector.load %arg6[%get3A_19, %get3A_20] : memref<1x128xf32, #tpu.memory_space<vmem>>, vector<1x128xf32>
    %add3A_22 = vector.broadcast %get3A_21 : vector<1x128xf32> to vector<1024x128xf32>
    %add3A_23 = arith.addf %mul3A_18, %add3A_22 : vector<1024x128xf32>
    %max3A = arith.constant 0.000000e+00 : f32
    %max3A_24 = vector.broadcast %max3A : f32 to vector<1024x128xf32>
    %max3A_25 = arith.maximumf %add3A_23, %max3A_24 : vector<1024x128xf32>
    %get3A_26 = arith.constant 0 : index
    %get3A_27 = arith.constant 0 : index
    %get3A_28 = arith.constant 0 : index
    %get3A_29 = vector.load %arg5[%get3A_26, %get3A_27, %get3A_28] : memref<2x64x1024xf32, #tpu.memory_space<vmem>>, vector<1x64x1024xf32>
    %get3A_30 = vector.shape_cast %get3A_29 : vector<1x64x1024xf32> to vector<64x1024xf32>
    %get3A_31 = arith.constant 1 : index
    %get3A_32 = arith.constant 0 : index
    %get3A_33 = arith.constant 0 : index
    %get3A_34 = vector.load %arg5[%get3A_31, %get3A_32, %get3A_33] : memref<2x64x1024xf32, #tpu.memory_space<vmem>>, vector<1x64x1024xf32>
    %get3A_35 = vector.shape_cast %get3A_34 : vector<1x64x1024xf32> to vector<64x1024xf32>
    %add3A_36 = arith.addf %get3A_30, %get3A_35 : vector<64x1024xf32>
    %iota3A = tpu.iota {dimensions = array<i32: 1>} : vector<1024x64xi32>
    %get3A_37 = arith.constant 0 : index
    %get3A_38 = arith.constant 0 : index
    %get3A_39 = vector.load %arg4[%get3A_37, %get3A_38] : memref<1024x1xi32, #tpu.memory_space<vmem>>, vector<1024x1xi32>
    %eq3A_40 = vector.broadcast %get3A_39 : vector<1024x1xi32> to vector<1024x64xi32>
    %eq3A_41 = arith.cmpi eq, %iota3A, %eq3A_40 : vector<1024x64xi32>
    %convert_element_type3A_42 = arith.extui %eq3A_41 : vector<1024x64xi1> to vector<1024x64xi32>
    %convert_element_type3A_43 = arith.sitofp %convert_element_type3A_42 : vector<1024x64xi32> to vector<1024x64xf32>
    %mul3A_44 = vector.broadcast %get3A_16 : vector<1024x1xf32> to vector<1024x128xf32>
    %mul3A_45 = arith.mulf %mul3A_44, %max3A_25 : vector<1024x128xf32>
    %get3A_46 = arith.constant 0 : index
    %get3A_47 = arith.constant 0 : index
    %get3A_48 = vector.load %arg10[%get3A_46, %get3A_47] : memref<64x128xf32, #tpu.memory_space<vmem>>, vector<64x128xf32>
    %dot_general3A = arith.constant dense<0.000000e+00> : vector<64x128xf32>
    %dot_general3A_49 = tpu.matmul %add3A_36, %mul3A_45, %dot_general3A {dimension_numbers = #tpu.dot_dimension_numbers<[1], [0], [0], [1], [0, 0, 1, 1], [], []>, transpose_lhs_hint = false} : vector<64x1024xf32>, vector<1024x128xf32>, vector<64x128xf32> -> vector<64x128xf32>
    %add3A_50 = arith.addf %get3A_48, %dot_general3A_49 : vector<64x128xf32>
    %swap3A = arith.constant 0 : index
    %swap3A_51 = arith.constant 0 : index
    %swap3A_52 = vector.load %arg10[%swap3A, %swap3A_51] : memref<64x128xf32, #tpu.memory_space<vmem>>, vector<64x128xf32>
    tpu.vector_store %arg10[%swap3A, %swap3A_51], %add3A_50 {strides = array<i32>} : memref<64x128xf32, #tpu.memory_space<vmem>>, vector<64x128xf32>,
    %get3A_53 = arith.constant 0 : index
    %get3A_54 = arith.constant 0 : index
    %get3A_55 = vector.load %arg11[%get3A_53, %get3A_54] : memref<64x128xf32, #tpu.memory_space<vmem>>, vector<64x128xf32>
    %mul3A_56 = vector.broadcast %get3A_16 : vector<1024x1xf32> to vector<1024x128xf32>
    %mul3A_57 = arith.mulf %mul3A_56, %mul3A_45 : vector<1024x128xf32>
    %dot_general3A_58 = arith.constant dense<0.000000e+00> : vector<64x128xf32>
    %dot_general3A_59 = tpu.matmul %convert_element_type3A_43, %mul3A_57, %dot_general3A_58 {dimension_numbers = #tpu.dot_dimension_numbers<[0], [0], [1], [1], [0, 1, 1, 1], [], []>, transpose_lhs_hint = false} : vector<1024x64xf32>, vector<1024x128xf32>, vector<64x128xf32> -> vector<64x128xf32>
    %add3A_60 = arith.addf %get3A_55, %dot_general3A_59 : vector<64x128xf32>
    %swap3A_61 = arith.constant 0 : index
    %swap3A_62 = arith.constant 0 : index
    %swap3A_63 = vector.load %arg11[%swap3A_61, %swap3A_62] : memref<64x128xf32, #tpu.memory_space<vmem>>, vector<64x128xf32>
    tpu.vector_store %arg11[%swap3A_61, %swap3A_62], %add3A_60 {strides = array<i32>} : memref<64x128xf32, #tpu.memory_space<vmem>>, vector<64x128xf32>,
    %get3A_64 = arith.constant 0 : index
    %get3A_65 = arith.constant 0 : index
    %get3A_66 = vector.load %arg12[%get3A_64, %get3A_65] : memref<64x128xf32, #tpu.memory_space<vmem>>, vector<64x128xf32>
    %broadcast_in_dim3A = arith.constant 1.000000e+00 : f32
    %broadcast_in_dim3A_67 = vector.broadcast %broadcast_in_dim3A : f32 to vector<1024x128xf32>
    %dot_general3A_68 = arith.constant dense<0.000000e+00> : vector<64x128xf32>
    %dot_general3A_69 = tpu.matmul %convert_element_type3A_43, %broadcast_in_dim3A_67, %dot_general3A_68 {dimension_numbers = #tpu.dot_dimension_numbers<[0], [0], [1], [1], [0, 1, 1, 1], [], []>, transpose_lhs_hint = false} : vector<1024x64xf32>, vector<1024x128xf32>, vector<64x128xf32> -> vector<64x128xf32>
    %add3A_70 = arith.addf %get3A_66, %dot_general3A_69 : vector<64x128xf32>
    %swap3A_71 = arith.constant 0 : index
    %swap3A_72 = arith.constant 0 : index
    %swap3A_73 = vector.load %arg12[%swap3A_71, %swap3A_72] : memref<64x128xf32, #tpu.memory_space<vmem>>, vector<64x128xf32>
    tpu.vector_store %arg12[%swap3A_71, %swap3A_72], %add3A_70 {strides = array<i32>} : memref<64x128xf32, #tpu.memory_space<vmem>>, vector<64x128xf32>,
    %eq3A_74 = arith.constant 9 : i32
    %eq3A_75 = arith.cmpi eq, %arg0, %eq3A_74 : i32
    %convert_element_type3A_76 = arith.extui %eq3A_75 : i1 to i32
    %cond3A_77 = arith.constant 0 : i32
    %cond3A_78 = arith.cmpi ne, %convert_element_type3A_76, %cond3A_77 : i32
    scf.if %cond3A_78 {
      %get3A_79 = arith.constant 0 : index
      %get3A_80 = arith.constant 0 : index
      %get3A_81 = vector.load %arg10[%get3A_79, %get3A_80] : memref<64x128xf32, #tpu.memory_space<vmem>>, vector<64x128xf32>
      %get3A_82 = arith.constant 0 : index
      %get3A_83 = arith.constant 0 : index
      %get3A_84 = vector.load %arg11[%get3A_82, %get3A_83] : memref<64x128xf32, #tpu.memory_space<vmem>>, vector<64x128xf32>
      %add3A_85 = arith.addf %get3A_81, %get3A_84 : vector<64x128xf32>
      %get3A_86 = arith.constant 0 : index
      %get3A_87 = arith.constant 0 : index
      %get3A_88 = vector.load %arg12[%get3A_86, %get3A_87] : memref<64x128xf32, #tpu.memory_space<vmem>>, vector<64x128xf32>
      %max3A_89 = arith.constant 1.000000e+00 : f32
      %max3A_90 = vector.broadcast %max3A_89 : f32 to vector<64x128xf32>
      %max3A_91 = arith.maximumf %get3A_88, %max3A_90 : vector<64x128xf32>
      %div3A = arith.divf %add3A_85, %max3A_91 : vector<64x128xf32>
      %get3A_92 = arith.constant 0 : index
      %get3A_93 = arith.constant 0 : index
      %get3A_94 = vector.load %arg7[%get3A_92, %get3A_93] : memref<128x128xf32, #tpu.memory_space<vmem>>, vector<128x128xf32>
      %dot_general3A_95 = arith.constant dense<0.000000e+00> : vector<64x128xf32>
      %dot_general3A_96 = tpu.matmul %div3A, %get3A_94, %dot_general3A_95 {dimension_numbers = #tpu.dot_dimension_numbers<[1], [0], [0], [1], [0, 0, 1, 1], [], []>, transpose_lhs_hint = false} : vector<64x128xf32>, vector<128x128xf32>, vector<64x128xf32> -> vector<64x128xf32>
      %get3A_97 = arith.constant 0 : index
      %get3A_98 = arith.constant 0 : index
      %get3A_99 = vector.load %arg8[%get3A_97, %get3A_98] : memref<1x128xf32, #tpu.memory_space<vmem>>, vector<1x128xf32>
      %add3A_100 = vector.broadcast %get3A_99 : vector<1x128xf32> to vector<64x128xf32>
      %add3A_101 = arith.addf %dot_general3A_96, %add3A_100 : vector<64x128xf32>
      %reduce_max3A = arith.constant dense<0xFF800000> : vector<64xf32>
      %reduce_max3A_102 = vector.multi_reduction <maximumf>, %add3A_101, %reduce_max3A [1] : vector<64x128xf32> to vector<64xf32>
      %broadcast_in_dim3A_103 = vector.shape_cast %reduce_max3A_102 : vector<64xf32> to vector<64x1xf32>
      %sub3A = vector.broadcast %broadcast_in_dim3A_103 : vector<64x1xf32> to vector<64x128xf32>
      %sub3A_104 = arith.subf %add3A_101, %sub3A : vector<64x128xf32>
      %exp3A = math.exp %sub3A_104 : vector<64x128xf32>
      %reduce_sum3A = arith.constant dense<0.000000e+00> : vector<64xf32>
      %reduce_sum3A_105 = vector.multi_reduction <add>, %exp3A, %reduce_sum3A [1] : vector<64x128xf32> to vector<64xf32>
      %broadcast_in_dim3A_106 = vector.shape_cast %reduce_sum3A_105 : vector<64xf32> to vector<64x1xf32>
      %log3A = math.log %broadcast_in_dim3A_106 : vector<64x1xf32>
      %sub3A_107 = vector.broadcast %log3A : vector<64x1xf32> to vector<64x128xf32>
      %sub3A_108 = arith.subf %sub3A_104, %sub3A_107 : vector<64x128xf32>
      %swap3A_109 = arith.constant 0 : index
      %swap3A_110 = arith.constant 0 : index
      %swap3A_111 = vector.load %arg9[%swap3A_109, %swap3A_110] : memref<64x128xf32, #tpu.memory_space<vmem>>, vector<64x128xf32>
      tpu.vector_store %arg9[%swap3A_109, %swap3A_110], %sub3A_108 {strides = array<i32>} : memref<64x128xf32, #tpu.memory_space<vmem>>, vector<64x128xf32>,
    } else {
    }
    return
  }
  func.func @transform_0(%arg0: i32) -> (i32, i32) {
    %c0_i32 = arith.constant 0 : i32
    %c0_i32_0 = arith.constant 0 : i32
    return %arg0, %c0_i32 : i32, i32
  }
  func.func @transform_1(%arg0: i32) -> (i32, i32, i32) {
    %c0_i32 = arith.constant 0 : i32
    %c0_i32_0 = arith.constant 0 : i32
    %c0_i32_1 = arith.constant 0 : i32
    return %c0_i32, %arg0, %c0_i32_0 : i32, i32, i32
  }
  func.func @transform_2(%arg0: i32) -> (i32, i32) {
    %c0_i32 = arith.constant 0 : i32
    %c0_i32_0 = arith.constant 0 : i32
    return %arg0, %c0_i32 : i32, i32
  }
  func.func @transform_3(%arg0: i32) -> (i32, i32) {
    %c0_i32 = arith.constant 0 : i32
    %c0_i32_0 = arith.constant 0 : i32
    return %arg0, %c0_i32 : i32, i32
  }
  func.func @transform_4(%arg0: i32) -> (i32, i32, i32) {
    %c0_i32 = arith.constant 0 : i32
    %c0_i32_0 = arith.constant 0 : i32
    %c0_i32_1 = arith.constant 0 : i32
    return %c0_i32, %c0_i32_0, %arg0 : i32, i32, i32
  }
  func.func @transform_5(%arg0: i32) -> (i32, i32) {
    %c0_i32 = arith.constant 0 : i32
    %c0_i32_0 = arith.constant 0 : i32
    %c0_i32_1 = arith.constant 0 : i32
    return %c0_i32, %c0_i32_0 : i32, i32
  }
  func.func @transform_6(%arg0: i32) -> (i32, i32) {
    %c0_i32 = arith.constant 0 : i32
    %c0_i32_0 = arith.constant 0 : i32
    %c0_i32_1 = arith.constant 0 : i32
    return %c0_i32, %c0_i32_0 : i32, i32
  }
  func.func @transform_7(%arg0: i32) -> (i32, i32) {
    %c0_i32 = arith.constant 0 : i32
    %c0_i32_0 = arith.constant 0 : i32
    %c0_i32_1 = arith.constant 0 : i32
    return %c0_i32, %c0_i32_0 : i32, i32
  }
  func.func @transform_8(%arg0: i32) -> (i32, i32) {
    %c0_i32 = arith.constant 0 : i32
    %c0_i32_0 = arith.constant 0 : i32
    %c0_i32_1 = arith.constant 0 : i32
    return %c0_i32, %c0_i32_0 : i32, i32
  }
}

</mosaic_0001>

<sc_bundles>
// kernel: kernel.6.cloned.1.call-start
scs
__scs_entry_jumppad:
0x0: {  	(pc) =	sbr.rel $0x88, $3  }
0x1: {  	(tag) =	ssettag $0x0;
	lr =	simm.s32 $0x1  }
0x2: {  	[smem:$0x3F9A] =	sst lr;
	_ =	strace $0xD0000000  }
0x3: {  	_ = 	snop  }
0x4: {  	_ = 	snop  }
0x5: {  	_ = 	snop  }
0x6: {  	_ = 	snop  }
0x7: {  	_ = 	snop  }
__scs_overlays_trampoline_lowered:
0x8: {  	[smem:$0x3FA9] =	sst s0  }
0x9: {  	[smem:$0x3FAA] =	sst s1  }
0xa: {  	[smem:$0x3FAB] =	sst s2  }
0xb: {  	[smem:$0x3FAC] =	sst s3  }
0xc: {  	[smem:$0x3FAD] =	sst s4  }
0xd: {  	[smem:$0x3FAE] =	sst s5  }
0xe: {  	[smem:$0x3FAF] =	sst s6  }
0xf: {  	[smem:$0x3FB0] =	sst s7  }
0x10: {  	[smem:$0x3FB1] =	sst s8  }
0x11: {  	[smem:$0x3FB2] =	sst s9;
	s0 =	simm.s32 @!p0 $0x0  }
0x12: {  	s1 =	sld [smem:$0x3F98];
	s0 =	simm.s32 @p0 $0x1  }
0x13: {  	[smem:$0x3FB3] =	sst s0;
	s0 =	simm.s32 @!p1 $0x0  }
0x14: {  	s2 =	sld [smem:$0x3F97];
	s0 =	simm.s32 @p1 $0x1  }
0x15: {  	[smem:$0x3FB4] =	sst s0;
	s0 =	simm.s32 @!p2 $0x0  }
0x16: {  	s3 =	sld [smem:$0x3FDB];
	s0 =	simm.s32 @p2 $0x1  }
0x17: {  	s4 =	simm.s32 $0x1BF5;
	[smem:$0x3FB6] =	sst s0  }
0x18: {  	s0 =	sld [smem:$0x3F99];
	_ =	swait.ge [sflag:s4], $0x0  }
0x19: {  	s7 =	sld [smem:$0x3F9A]  }
0x1a: {  	s8 =	sadd.s32 $0xFFFFE003, lr  }
0x1b: {  	s9 =	sadd.s32 $0xFFFFFEF7, lr;
	s5 =	simm.s32 $0xFFFFFFFF;
	p2 =	slt.u32 s8, $0xFFFFF086  }
0x1c: {  	p1 =	slt.u32 s9, $0xF7A;
	s5 =	simm.s32 @!p2 $0x0  }
0x1d: {  	s5 =	simm.s32 @p1 $0x1;
	p0 =	seq.s32 s7, s2  }
0x1e: {  	s7 =	smul.u32 @!p0 $0xF7A, s2;
	p2 =	seq.s32 @!p0 s5, $0x0  }
0x1f: {  	s9 =	smul.u32 $0xF7A, s1;
	s8 =	simm.s32 @!p0 $0x1BF5;
	p2 =	por !p2, p0  }
0x20: {  	[sflag:s8] =	ssyncset.s32 @!p0 $0xFFFFF086;
	s6 =	sadd.s32 @!p0 s3, s7;
	s7 =	simm.s32 @!p0 $0x108  }
0x21: {  	s3 =	sadd.s32 s3, s9;
	s6 =	sadd.s32 @!p0 $0x88, s6;
	s7 =	simm.s32 @p2 $0x1082  }
0x22: {  	[simem:s7], [sflag:s8] =	dma.local @!p0 [hbm:s6], $0xF7A  }
0x23: {  	s9 =	sor.u32 $0xD0000000, s2;
	s6 =	simm.s32 $0x108;
	_ =	swait.ge @!p0 [sflag:s8], $0x0  }
0x24: {  	s3 =	sadd.s32 $0x88, s3;
	s6 =	simm.s32 @!p1 $0x1082;
	[sflag:s4] =	ssyncset.s32 $0xFFFFF086  }
0x25: {  	[simem:s6], [sflag:s4] =	dma.local [hbm:s3], $0xF7A  }
0x26: {  	[smem:$0x3F9A] =	sst s1;
	(tag) =	ssettag s2;
	_ =	strace s9  }
0x27: {  	s1 =	sld [smem:$0x3FAA]  }
0x28: {  	s2 =	sld [smem:$0x3FAB]  }
0x29: {  	s4 =	sld [smem:$0x3FAD]  }
0x2a: {  	p0 =	seq.s32 s5, $0x0;
	s5 =	sld [smem:$0x3FAE]  }
0x2b: {  	s6 =	sld [smem:$0x3FAF]  }
0x2c: {  	s7 =	sld [smem:$0x3FB0]  }
0x2d: {  	s3 =	simm.s32 $0x108;
	s8 =	sld [smem:$0x3FB1]  }
0x2e: {  	s3 =	simm.s32 @!p0 $0x1082;
	s9 =	sld [smem:$0x3FB2]  }
0x2f: {  	lr =	sadd.s32 s0, s3;
	s0 =	sld [smem:$0x3FA9]  }
0x30: {  	s3 =	sld [smem:$0x3FAC]  }
0x31: {  	[smem:$0x3FB5] =	sst s10  }
0x32: {  	s10 =	sld [smem:$0x3FB3];
	_ =	sdelay $0x3  }
0x33: {  	p0 =	seq.s32 s10, $0x1;
	s10 =	sld [smem:$0x3FB5];
	_ =	sdelay $0x3  }
0x34: {  	[smem:$0x3FB5] =	sst s10  }
0x35: {  	s10 =	sld [smem:$0x3FB4];
	_ =	sdelay $0x3  }
0x36: {  	p1 =	seq.s32 s10, $0x1;
	s10 =	sld [smem:$0x3FB5];
	_ =	sdelay $0x3  }
0x37: {  	[smem:$0x3FB5] =	sst s10  }
0x38: {  	s10 =	sld [smem:$0x3FB6]  }
0x39: {  	_ = 	snop;
	(pc) =	sbr.ind lr, $3  }
0x3a: {  	_ = 	snop  }
0x3b: {  	_ = 	snop  }
0x3c: {  	p2 =	seq.s32 s10, $0x1;
	s10 =	sld [smem:$0x3FB5]  }
0x3d: {  	_ =	shalt  }
0x3e: {  	_ =	shalt  }
0x3f: {  	_ =	shalt  }
0x40: {  	_ =	shalt  }
0x41: {  	_ =	shalt  }
0x42: {  	_ =	shalt  }
0x43: {  	_ =	shalt  }
0x44: {  	_ =	shalt  }
0x45: {  	_ =	shalt  }
0x46: {  	_ =	shalt  }
0x47: {  	_ =	shalt  }
0x48: {  	_ =	shalt  }
0x49: {  	_ =	shalt  }
0x4a: {  	_ =	shalt  }
0x4b: {  	_ =	shalt  }
0x4c: {  	_ =	shalt  }
0x4d: {  	_ =	shalt  }
0x4e: {  	_ =	shalt  }
0x4f: {  	_ =	shalt  }
0x50: {  	_ =	shalt  }
0x51: {  	_ =	shalt  }
0x52: {  	_ =	shalt  }
0x53: {  	_ =	shalt  }
0x54: {  	_ =	shalt  }
0x55: {  	_ =	shalt  }
0x56: {  	_ =	shalt  }
0x57: {  	_ =	shalt  }
0x58: {  	_ =	shalt  }
0x59: {  	_ =	shalt  }
0x5a: {  	_ =	shalt  }
0x5b: {  	_ =	shalt  }
0x5c: {  	_ =	shalt  }
0x5d: {  	_ =	shalt  }
0x5e: {  	_ =	shalt  }
0x5f: {  	_ =	shalt  }
0x60: {  	_ =	shalt  }
0x61: {  	_ =	shalt  }
0x62: {  	_ =	shalt  }
0x63: {  	_ =	shalt  }
0x64: {  	_ =	shalt  }
0x65: {  	_ =	shalt  }
0x66: {  	_ =	shalt  }
0x67: {  	_ =	shalt  }
0x68: {  	_ =	shalt  }
0x69: {  	_ =	shalt  }
0x6a: {  	_ =	shalt  }
0x6b: {  	_ =	shalt  }
0x6c: {  	_ =	shalt  }
0x6d: {  	_ =	shalt  }
0x6e: {  	_ =	shalt  }
0x6f: {  	_ =	shalt  }
0x70: {  	_ =	shalt  }
0x71: {  	_ =	shalt  }
0x72: {  	_ =	shalt  }
0x73: {  	_ =	shalt  }
0x74: {  	_ =	shalt  }
0x75: {  	_ =	shalt  }
0x76: {  	_ =	shalt  }
0x77: {  	_ =	shalt  }
0x78: {  	_ =	shalt  }
0x79: {  	_ =	shalt  }
0x7a: {  	_ =	shalt  }
0x7b: {  	_ =	shalt  }
0x7c: {  	_ =	shalt  }
0x7d: {  	_ =	shalt  }
0x7e: {  	_ =	shalt  }
0x7f: {  	_ =	shalt  }
0x80: {  	_ =	shalt  }
0x81: {  	_ =	shalt  }
0x82: {  	_ =	shalt  }
0x83: {  	_ =	shalt  }
0x84: {  	_ =	shalt  }
0x85: {  	_ =	shalt  }
0x86: {  	_ =	shalt  }
0x87: {  	_ =	shalt  }
.Lfunc_end0:
.L_simem_size_0:
called_computation_lowered:
.L_overlay_start_0:
0x88: {  	s2 =	sld [smem:$0x3FD9]  }
0x89: {  	s3 =	sld [smem:$0x3FFE];
	_ =	sdelay $0x1  }
0x8a: {  	s1 =	srdreg.scid  }
0x8b: {  	s0 =	sand.u32 $0x1, s1  }
0x8c: {  	s16 =	sshll.u32 s0, $0xA;
	s2 =	sadd.s32 s3, s2  }
0x8d: {  	s2 =	sadd.s32 s2, s16  }
0x8e: {  	[smem:$0x3FC1] =	sst s2  }
0x8f: {  	_ = 	snop  }
0x90: {  	(tm) =	ssettm $0x1  }
0x91: {  	s17 =	sld [smem:$0x3FFB];
	_ =	sdelay $0x3  }
0x92: {  	_ =	strace s17  }
0x93: {  	s2 =	sld [smem:$0x3FFC];
	_ =	sdelay $0x3  }
0x94: {  	_ =	strace s2  }
0x95: {  	s2 =	sld [smem:$0x3FFD];
	_ =	sdelay $0x3  }
0x96: {  	_ =	strace s2  }
0x97: {  	_ =	strace $0x8FFFFFFF  }
0x98: {  	s18 =	sld [smem:$0x3FDB];
	_ =	sdelay $0x1  }
0x99: {  	s19 =	simm.s32 $_scs_section_size  }
0x9a: {  	s4 =	simm.s32 $_size__tile_overlayer_lowered;
	s5 =	simm.s32 $_tile_overlayer_lowered  }
0x9b: {  	s22 =	simm.s32 $0x1BFF;
	s21 =	sshll.u32 s5, $0x1;
	s2 =	sadd.s32 s19, s18  }
0x9c: {  	s6 =	simm.s32 $0x0;
	s20 =	sshll.u32 s4, $0x1;
	s4 =	sadd.s32 s21, s2  }
0x9d: {  	[timem:s6], [sflag:s22] =	dma.local [hbm:s4], s20  }
0x9e: {  	_ =	swait.ge [sflag:s22], s20  }
0x9f: {  	s3 =	ssub.s32 $0x0, s20;
	[sflag:s22] =	ssyncset.done $0x0  }
0xa0: {  	[sflag:s22] =	ssyncadd.s32 s3;
	_ =	sdelay $0x1  }
0xa1: {  	s23 =	simm.s32 $0x1B8B  }
0xa2: {  	_ =	swait.ge [sflag:s23], $0x1  }
0xa3: {  	[sflag:s23] =	ssyncset.done $0x0  }
0xa4: {  	s25 =	simm.s32 $0x1B8E;
	s24 =	sld [smem:$0x3FFE];
	[sflag:s23] =	ssyncadd.s32 $0xFFFFFFFF  }
0xa5: {  	s26 =	simm.s32 $execute0_lowered;
	[smem:$0x3FD2] =	sst s25  }
0xa6: {  	s4 =	sshll.u32 s26, $0x1;
	_ =	strace $0x80000046;
	[dreg:$0x1] =	wrdreg $0xFFFFFFFF  }
0xa7: {  	s28 =	simm.s32 $_size_execute0_lowered;
	s2 =	sadd.s32 s2, s4;
	[dreg:$0x0] =	wrdreg $0x0  }
0xa8: {  	s4 =	sshll.u32 s28, $0x1;
	[dreg:$0x2] =	wrdreg s2  }
0xa9: {  	[dreg:$0x3] =	wrdreg s4  }
0xaa: {  	[dreg:$0x4] =	wrdreg $0xC0  }
0xab: {  	_ =	task [dreg:s6], $0x5FFFF  }
0xac: {  	[dreg:$0x1] =	wrdreg $0xFFFFFFFF  }
0xad: {  	[dreg:$0x0] =	wrdreg $0x60  }
0xae: {  	[dreg:$0x2] =	wrdreg s24  }
0xaf: {  	[dreg:$0x3] =	wrdreg $0x11F800  }
0xb0: {  	[dreg:$0x4] =	wrdreg $0x122000  }
0xb1: {  	[dreg:$0x5] =	wrdreg $0x9  }
0xb2: {  	_ =	task.clear_ibuf [dreg:s6], $0x6FFFF;
	_ =	strace $0x90000046  }
0xb3: {  	s29 =	simm.s32 $0x9;
	_ =	strace $0x80000048  }
0xb4: {  	_ =	swait.ge [sflag:s29], $0x1  }
0xb5: {  	[sflag:s29] =	ssyncadd.s32 $0xFFFFFFFF  }
0xb6: {  	_ =	strace $0x90000048  }
0xb7: {  	_ =	sfence  }
0xb8: {  	s30 =	sld [smem:$0x0];
	_ =	sdelay $0x2  }
0xb9: {  	s31 =	sshll.u32 s1, $0xD;
	s1 =	sshrl.u32 s1, $0x2  }
0xba: {  	s3 =	sand.u32 $0x4000, s31;
	s1 =	sadd.s32 s1, s30  }
0xbb: {  	s0 =	sor.u32 s3, s0;
	s1 =	sshll.u32 s1, $0x11  }
0xbc: {  	s0 =	sor.u32 s1, s0  }
0xbd: {  	s0 =	sadd.s32 $0x8F2B, s0  }
0xbe: {  	[sflag:s0] =	ssyncadd.remote.s32 $0x1  }
0xbf: {  	_ =	sfence.sel $0xFFFF  }
0xc0: {  	[dreg:$0x0] =	wrdreg $0xFFFFFFFF;
	(pc) =	sbr.abs _section_cstart, $3  }
0xc1: {  	[dreg:$0x1] =	wrdreg $0xFFFFFFFF  }
0xc2: {  	_ =	task.clear_ibuf [dreg:s6], $0x2FFFF;
	_ =	strace $0x9FFFFFFF  }
0xc3: {  	(tm) =	ssettm $0x7FFFFFFF  }
tec
execute0_lowered:
.L_overlay_start_1:
0x0: {  	(tag) =	ssettag $0x1  }
0x1: {  	s0 =	rddreg [dreg:$0x0];
	s11 =	stileid.u32  }
0x2: {  	s1 =	srdreg.scid;
	s3 =	simm.s32 $0x0;
	s2 =	smul.u32 $0x280, s11  }
0x3: {  	s8 =	sand.u32 $0x1, s1;
	[smem:$0x7FF] =	sst s3;
	s5 =	smul.u32 $0x4E20, s11  }
0x4: {  	s6 =	sadd.s32 $0x3000, s0;
	s1 =	smul.u32 $0x2800, s8;
	s19 =	sshll.u32 s8, $0x4  }
0x5: {  	s7 =	ssub.s32 $0x2, s8;
	s14 =	smul.u32 $0xA0000, s8;
	s3 =	sor.u32 s11, s19  }
0x6: {  	s4 =	sadd.s32 $0x17A00, s0;
	s9 =	sshrl.u32 s7, $0x1;
	s3 =	smul.u32 $0x2710, s3  }
0x7: {  	s5 =	sshrl.u32 s5, $0x3;
	s1 =	sadd.s32 s2, s1;
	s20 =	ssub.s32 s7, s9  }
0x8: {  	s5 =	sadd.s32 s6, s5;
	s10 =	sshrl.u32 s3, $0x3;
	s3 =	smul.u32 $0xA000, s11  }
0x9: {  	s26 =	sshrl.u32 s1, $0x3;
	[dreg:$0x1c] =	wrdreg s20;
	s25 =	sadd.s32 s6, s10  }
0xa: {  	s6 =	sor.u32 $0xA00, s3;
	s7 =	sor.u32 $0x1400, s3;
	s8 =	sor.u32 $0x1E00, s3  }
0xb: {  	s9 =	sadd.s32 $0x2800, s3;
	s10 =	sadd.s32 $0x3200, s3;
	s12 =	sadd.s32 $0x3C00, s3  }
0xc: {  	s15 =	sadd.s32 s3, s14;
	s13 =	sadd.s32 $0x4600, s3;
	s16 =	sadd.s32 s14, s6  }
0xd: {  	s15 =	sshrl.u32 s15, $0x3;
	s22 =	sadd.s32 s14, s7;
	s23 =	sadd.s32 s14, s8  }
0xe: {  	s17 =	sadd.s32 s14, s9;
	s18 =	sadd.s32 s14, s13;
	s16 =	sshrl.u32 s16, $0x3  }
0xf: {  	s15 =	sadd.s32 s4, s15;
	s24 =	sshrl.u32 s23, $0x3;
	s1 =	sshrl.u32 s17, $0x3  }
0x10: {  	s17 =	sadd.s32 s14, s12;
	s20 =	sshrl.u32 s18, $0x3;
	[dreg:$0x5] =	wrdreg s15  }
0x11: {  	s21 =	sadd.s32 s4, s16;
	s15 =	sshrl.u32 s22, $0x3;
	s11 =	sadd.s32 s4, s1  }
0x12: {  	s16 =	sadd.s32 s14, s10;
	s19 =	sshrl.u32 s17, $0x3;
	[dreg:$0x6] =	wrdreg s21  }
0x13: {  	s17 =	sadd.s32 $0x6400, s3;
	s15 =	sadd.s32 s4, s15;
	[dreg:$0x9] =	wrdreg s11  }
0x14: {  	s21 =	sadd.s32 s4, s20;
	[dreg:$0x7] =	wrdreg s15;
	s15 =	sadd.s32 s4, s24  }
0x15: {  	s20 =	sadd.s32 s14, s17;
	[dreg:$0x8] =	wrdreg s15;
	s15 =	sshrl.u32 s16, $0x3  }
0x16: {  	[dreg:$0xc] =	wrdreg s21;
	s23 =	sshrl.u32 s20, $0x3;
	s15 =	sadd.s32 s4, s15  }
0x17: {  	s21 =	sadd.s32 $0x7800, s3;
	[dreg:$0xa] =	wrdreg s15;
	s15 =	sadd.s32 s4, s19  }
0x18: {  	s16 =	sadd.s32 $0x5A00, s3;
	[dreg:$0xb] =	wrdreg s15;
	s15 =	sadd.s32 $0x5000, s3  }
0x19: {  	s24 =	sadd.s32 s4, s23;
	s11 =	sadd.s32 s14, s21;
	s18 =	sadd.s32 s14, s15  }
0x1a: {  	[dreg:$0xf] =	wrdreg s24;
	s19 =	sadd.s32 s14, s16;
	s18 =	sshrl.u32 s18, $0x3  }
0x1b: {  	s20 =	sshrl.u32 s11, $0x3;
	s22 =	sshrl.u32 s19, $0x3;
	s18 =	sadd.s32 s4, s18  }
0x1c: {  	[dreg:$0xd] =	wrdreg s18;
	s18 =	sadd.s32 s4, s22;
	s22 =	sadd.s32 $0x8200, s3  }
0x1d: {  	[dreg:$0xe] =	wrdreg s18;
	s18 =	sadd.s32 $0x6E00, s3;
	s23 =	sadd.s32 s14, s22  }
0x1e: {  	s11 =	rddreg [dreg:$0x1];
	s1 =	sadd.s32 s14, s18;
	s23 =	sshrl.u32 s23, $0x3  }
0x1f: {  	s19 =	sshrl.u32 s1, $0x3;
	s24 =	sadd.s32 s4, s23;
	s23 =	sadd.s32 $0x8C00, s3  }
0x20: {  	s19 =	sadd.s32 s4, s19;
	[dreg:$0x12] =	wrdreg s24;
	s24 =	sadd.s32 $0x9600, s3  }
0x21: {  	s1 =	sadd.s32 s14, s23;
	[dreg:$0x10] =	wrdreg s19;
	s19 =	sadd.s32 s4, s20  }
0x22: {  	s14 =	sadd.s32 s14, s24;
	s20 =	sadd.s32 $0xA122, s5;
	[dreg:$0x11] =	wrdreg s19  }
0x23: {  	s19 =	sshrl.u32 s1, $0x3;
	s1 =	rddreg [dreg:$0x2];
	s14 =	sshrl.u32 s14, $0x3  }
0x24: {  	s19 =	sadd.s32 s4, s19;
	s4 =	sadd.s32 s4, s14;
	s14 =	sadd.s32 s26, s0  }
0x25: {  	s0 =	sadd.s32 $0x16A00, s0;
	s26 =	sadd.s32 s3, s1;
	s28 =	sadd.s32 s6, s1  }
0x26: {  	s29 =	sadd.s32 s7, s1;
	s30 =	sadd.s32 s8, s1;
	s31 =	sadd.s32 s9, s1  }
0x27: {  	s3 =	sadd.s32 s17, s1;
	s6 =	sadd.s32 s18, s1;
	s7 =	sadd.s32 s21, s1  }
0x28: {  	s8 =	sadd.s32 s22, s1;
	s9 =	sadd.s32 s23, s1;
	s18 =	simm.s32 $0x2780  }
0x29: {  	s17 =	simm.s32 $0xC580;
	s21 =	simm.s32 $0x4;
	[dreg:$0x13] =	wrdreg s19  }
0x2a: {  	[dreg:$0x14] =	wrdreg s4;
	s19 =	sadd.s32 $0x9C40, s5;
	s4 =	sadd.s32 s15, s1  }
0x2b: {  	s5 =	sadd.s32 s16, s1;
	_ =	strace $0x80000047;
	[dreg:$0x15] =	wrdreg s0  }
0x2c: {  	s22 =	sadd.s32 $0x17000, s14;
	s16 =	simm.s32 $0x2;
	[dreg:$0x16] =	wrdreg s19  }
0x2d: {  	[dreg:$0x17] =	wrdreg s20;
	s19 =	sadd.s32 s10, s1;
	s0 =	sadd.s32 s12, s1  }
0x2e: {  	s20 =	sadd.s32 s13, s1;
	s10 =	sadd.s32 s24, s1;
	[dreg:$0x18] =	wrdreg s22  }
0x2f: {  	s24 =	sadd.s32 s2, s11;
	[dreg:$0x4] =	wrdreg s25;
	s25 =	sadd.s32 $0x9C40, s25  }
0x30: {  	s22 =	simm.s32 $0x11580;
	s11 =	simm.s32 $0xED80;
	s23 =	rddreg [dreg:$0x1c]  }
0x31: {  	s12 =	simm.s32 $0x3;
	s13 =	simm.s32 $0x0;
	[dreg:$0x1a] =	wrdreg s24  }
0x32: {  	[dreg:$0x1b] =	wrdreg s25;
	s24 =	simm.s32 $0x2710;
	s1 =	smax.u32 s23, $0x1  }
0x33: {  	v0 =	vimm.f32 $0.0e+00;
	v1 =	vimm.f32 $1.000000000e+00;
	s25 =	simm.s32 $0x4F00;
	s23 =	simm.s32 $0x1;
	[dreg:$0x19] =	wrdreg s1  }
.LBB2_1:
0x34: {  	s1 =	simm.s32 $0x0;
	s14 =	rddreg [dreg:$0x16]  }
0x35: {  	[tilespmem:s18], [sflag:$0x1] =	stream.linear.gather [hbm4b:s14+s1], $0x2710, $0x38;
	[tilespmem:$0x1C200] =	vst v63  }
0x36: {  	s15 =	simm.s32 $0x9E00;
	s14 =	rddreg [dreg:$0x17]  }
0x37: {  	[tilespmem:s15], [sflag:$0x2] =	stream.linear.gather [hbm4b:s14+s1], $0x2710, $0x38;
	[tilespmem:$0x1C200] =	vst v63  }
0x38: {  	s15 =	rddreg [dreg:$0x4]  }
0x39: {  	[tilespmem:s1], [sflag:$0x3] =	stream.linear.gather [hbm4b:s15+s1], $0x2710, $0x38;
	[tilespmem:$0x1C200] =	vst v63  }
0x3a: {  	s1 =	simm.s32 $0x0  }
.LBB2_2:
0x3b: {  	p0 =	sne.s32 s1, $0x27C0  }
.Ltmp0:
0x3c: {  	_ = 	snop;
	(pc) =	sbr.rel @p0 .LBB2_2-.Ltmp0, $3  }
0x3d: {  	_ =	sdelay $0x1  }
0x3e: {  	s14 =	sshra.s32 s1, $0x2  }
0x3f: {  	s1 =	sadd.s32 $0x40, s1;
	[tilespmem:s14+$0x11580] =	vst v0  }
0x40: {  	s1 =	simm.s32 $0x40;
	s14 =	simm.s32 $0x0  }
.LBB2_4:
0x41: {  	p0 =	sne.s32 s1, $0x9C00;
	[tilespmem:s14+$0x4F00] =	vst v1;
	s14 =	smov.u32 s1;
	s1 =	sadd.s32 $0x40, s1  }
.Ltmp1:
0x42: {  	(pc) =	sbr.rel @p0 .LBB2_4-.Ltmp1, $2  }
0x43: {  	_ =	sdelay $0x2  }
0x44: {  	s14 =	sshra.s32 s14, $0x2  }
0x45: {  	[tilespmem:s14+$0x4F00] =	vst v1;
	s14 =	simm.s32 $0x0;
	s1 =	rddreg [dreg:$0x15]  }
0x46: {  	[tilespmem:s17], [sflag:$0x4] =	stream.linear.gather [hbm4b:s1+s14], $0x2800, $0x38;
	[tilespmem:$0x1C200] =	vst v63  }
0x47: {  	_ =	swait.ge [sflag:s21], $0x2800  }
0x48: {  	[sflag:s21] =	ssyncset.done $0x0  }
0x49: {  	s15 =	rddreg [dreg:$0x1a];
	[sflag:s21] =	ssyncadd.s32 $0xFFFFD800  }
0x4a: {  	[spmem:s15] =	stream.linear.scatter [tilespmem:s22], [sflag:$0x4], $0x280, $0x38;
	[tilespmem:$0x1C200] =	vst v63  }
0x4b: {  	_ =	swait.ge [sflag:s21], $0x280  }
0x4c: {  	[sflag:s21] =	ssyncset.done $0x0  }
0x4d: {  	[sflag:s21] =	ssyncadd.s32 $0xFFFFFD80  }
0x4e: {  	[spmem:s26] =	stream.linear.scatter [tilespmem:s22], [sflag:$0x4], $0xA00, $0x38;
	[tilespmem:$0x1C200] =	vst v63  }
0x4f: {  	_ =	swait.ge [sflag:s21], $0xA00  }
0x50: {  	[sflag:s21] =	ssyncset.done $0x0  }
0x51: {  	[sflag:s21] =	ssyncadd.s32 $0xFFFFF600  }
0x52: {  	[spmem:s28] =	stream.linear.scatter [tilespmem:s22], [sflag:$0x4], $0xA00, $0x38;
	[tilespmem:$0x1C200] =	vst v63  }
0x53: {  	_ =	swait.ge [sflag:s21], $0xA00  }
0x54: {  	[sflag:s21] =	ssyncset.done $0x0  }
0x55: {  	[sflag:s21] =	ssyncadd.s32 $0xFFFFF600  }
0x56: {  	[spmem:s29] =	stream.linear.scatter [tilespmem:s22], [sflag:$0x4], $0xA00, $0x38;
	[tilespmem:$0x1C200] =	vst v63  }
0x57: {  	_ =	swait.ge [sflag:s21], $0xA00  }
0x58: {  	[sflag:s21] =	ssyncset.done $0x0  }
0x59: {  	[sflag:s21] =	ssyncadd.s32 $0xFFFFF600  }
0x5a: {  	[spmem:s30] =	stream.linear.scatter [tilespmem:s22], [sflag:$0x4], $0xA00, $0x38;
	[tilespmem:$0x1C200] =	vst v63  }
0x5b: {  	_ =	swait.ge [sflag:s21], $0xA00  }
0x5c: {  	[sflag:s21] =	ssyncset.done $0x0  }
0x5d: {  	[sflag:s21] =	ssyncadd.s32 $0xFFFFF600  }
0x5e: {  	[spmem:s31] =	stream.linear.scatter [tilespmem:s22], [sflag:$0x4], $0xA00, $0x38;
	[tilespmem:$0x1C200] =	vst v63  }
0x5f: {  	_ =	swait.ge [sflag:s21], $0xA00  }
0x60: {  	[sflag:s21] =	ssyncset.done $0x0  }
0x61: {  	[sflag:s21] =	ssyncadd.s32 $0xFFFFF600  }
0x62: {  	[spmem:s19] =	stream.linear.scatter [tilespmem:s22], [sflag:$0x4], $0xA00, $0x38;
	[tilespmem:$0x1C200] =	vst v63  }
0x63: {  	_ =	swait.ge [sflag:s21], $0xA00  }
0x64: {  	[sflag:s21] =	ssyncset.done $0x0  }
0x65: {  	[sflag:s21] =	ssyncadd.s32 $0xFFFFF600  }
0x66: {  	[spmem:s0] =	stream.linear.scatter [tilespmem:s22], [sflag:$0x4], $0xA00, $0x38;
	[tilespmem:$0x1C200] =	vst v63  }
0x67: {  	_ =	swait.ge [sflag:s21], $0xA00  }
0x68: {  	[sflag:s21] =	ssyncset.done $0x0  }
0x69: {  	[sflag:s21] =	ssyncadd.s32 $0xFFFFF600  }
0x6a: {  	[spmem:s20] =	stream.linear.scatter [tilespmem:s22], [sflag:$0x4], $0xA00, $0x38;
	[tilespmem:$0x1C200] =	vst v63  }
0x6b: {  	_ =	swait.ge [sflag:s21], $0xA00  }
0x6c: {  	[sflag:s21] =	ssyncset.done $0x0  }
0x6d: {  	[sflag:s21] =	ssyncadd.s32 $0xFFFFF600  }
0x6e: {  	[spmem:s4] =	stream.linear.scatter [tilespmem:s22], [sflag:$0x4], $0xA00, $0x38;
	[tilespmem:$0x1C200] =	vst v63  }
0x6f: {  	_ =	swait.ge [sflag:s21], $0xA00  }
0x70: {  	[sflag:s21] =	ssyncset.done $0x0  }
0x71: {  	[sflag:s21] =	ssyncadd.s32 $0xFFFFF600  }
0x72: {  	[spmem:s5] =	stream.linear.scatter [tilespmem:s22], [sflag:$0x4], $0xA00, $0x38;
	[tilespmem:$0x1C200] =	vst v63  }
0x73: {  	_ =	swait.ge [sflag:s21], $0xA00  }
0x74: {  	[sflag:s21] =	ssyncset.done $0x0  }
0x75: {  	[sflag:s21] =	ssyncadd.s32 $0xFFFFF600  }
0x76: {  	[spmem:s3] =	stream.linear.scatter [tilespmem:s22], [sflag:$0x4], $0xA00, $0x38;
	[tilespmem:$0x1C200] =	vst v63  }
0x77: {  	_ =	swait.ge [sflag:s21], $0xA00  }
0x78: {  	[sflag:s21] =	ssyncset.done $0x0  }
0x79: {  	[sflag:s21] =	ssyncadd.s32 $0xFFFFF600  }
0x7a: {  	[spmem:s6] =	stream.linear.scatter [tilespmem:s22], [sflag:$0x4], $0xA00, $0x38;
	[tilespmem:$0x1C200] =	vst v63  }
0x7b: {  	_ =	swait.ge [sflag:s21], $0xA00  }
0x7c: {  	[sflag:s21] =	ssyncset.done $0x0  }
0x7d: {  	[sflag:s21] =	ssyncadd.s32 $0xFFFFF600  }
0x7e: {  	[spmem:s7] =	stream.linear.scatter [tilespmem:s22], [sflag:$0x4], $0xA00, $0x38;
	[tilespmem:$0x1C200] =	vst v63  }
0x7f: {  	_ =	swait.ge [sflag:s21], $0xA00  }
0x80: {  	[sflag:s21] =	ssyncset.done $0x0  }
0x81: {  	[sflag:s21] =	ssyncadd.s32 $0xFFFFF600  }
0x82: {  	[spmem:s8] =	stream.linear.scatter [tilespmem:s22], [sflag:$0x4], $0xA00, $0x38;
	[tilespmem:$0x1C200] =	vst v63  }
0x83: {  	_ =	swait.ge [sflag:s21], $0xA00  }
0x84: {  	[sflag:s21] =	ssyncset.done $0x0  }
0x85: {  	[sflag:s21] =	ssyncadd.s32 $0xFFFFF600  }
0x86: {  	[spmem:s9] =	stream.linear.scatter [tilespmem:s22], [sflag:$0x4], $0xA00, $0x38;
	[tilespmem:$0x1C200] =	vst v63  }
0x87: {  	_ =	swait.ge [sflag:s21], $0xA00  }
0x88: {  	[sflag:s21] =	ssyncset.done $0x0  }
0x89: {  	[sflag:s21] =	ssyncadd.s32 $0xFFFFF600  }
0x8a: {  	[spmem:s10] =	stream.linear.scatter [tilespmem:s22], [sflag:$0x4], $0xA00, $0x38;
	[tilespmem:$0x1C200] =	vst v63  }
0x8b: {  	_ =	swait.ge [sflag:s21], $0xA00  }
0x8c: {  	[sflag:s21] =	ssyncset.done $0x0  }
0x8d: {  	[sflag:s21] =	ssyncadd.s32 $0xFFFFF600  }
0x8e: {  	[bflag:$0x0] =	sbarrier.arrive $0xFFFF  }
0x8f: {  	_ =	swait.ge [sflag:s23], $0x2710  }
0x90: {  	[sflag:s23] =	ssyncset.done $0x0  }
0x91: {  	[sflag:s23] =	ssyncadd.s32 $0xFFFFD8F0  }
0x92: {  	s1 =	rddreg [dreg:$0x1]  }
0x93: {  	[spmem:s1] =	stream.indirect.scatter.add.f32 [tilespmem:s25], [sflag:$0x4], $0x1, s18, s24, $0xb8;
	[tilespmem:$0x1C200] =	vst v63  }
0x94: {  	_ =	swait.ge [sflag:s21], $0x2710  }
0x95: {  	[sflag:s21] =	ssyncset.done $0x0  }
0x96: {  	[sflag:s21] =	ssyncadd.s32 $0xFFFFD8F0  }
0x97: {  	_ =	swait.ge [sflag:s16], $0x2710  }
0x98: {  	[sflag:s16] =	ssyncset.done $0x0  }
0x99: {  	s15 =	rddreg [dreg:$0x1b];
	[sflag:s16] =	ssyncadd.s32 $0xFFFFD8F0  }
0x9a: {  	[tilespmem:s18], [sflag:$0x1] =	stream.linear.gather [hbm4b:s15+s14], $0x2710, $0x38;
	[tilespmem:$0x1C200] =	vst v63  }
0x9b: {  	s18 =	simm.s32 $0x9E00  }
0x9c: {  	[spmem:s1] =	stream.indirect.scatter.add.f32 [tilespmem:s25], [sflag:$0x4], $0x1, s18, s24, $0xb8;
	[tilespmem:$0x1C200] =	vst v63  }
0x9d: {  	_ =	swait.ge [sflag:s21], $0x2710  }
0x9e: {  	[sflag:s21] =	ssyncset.done $0x0  }
0x9f: {  	[sflag:s21] =	ssyncadd.s32 $0xFFFFD8F0  }
0xa0: {  	[bflag:$0x0] =	sbarrier.arrive $0xFFFF  }
0xa1: {  	[tilespmem:s11], [sflag:$0x4] =	stream.linear.gather [spmem:s1], $0x2800, $0x38;
	[tilespmem:$0x1C200] =	vst v63  }
0xa2: {  	_ =	swait.ge [sflag:s21], $0x2800  }
0xa3: {  	[sflag:s21] =	ssyncset.done $0x0  }
0xa4: {  	s18 =	simm.s32 $0x40;
	s1 =	simm.s32 $0x0;
	[sflag:s21] =	ssyncadd.s32 $0xFFFFD800  }
.LBB2_6:
0xa5: {  	p0 =	sne.s32 s18, $0x9FC0;
	v2 =	vld [tilespmem:s1+$0xED80];
	_ =	sdelay $0x4  }
0xa6: {  	v2 =	vadd.f32 $1.000000000e+00, v2;
	_ =	sdelay $0x1  }
0xa7: {  	v3 =	vshrl.u32 v2, $0x1;
	v2 =	vmul.f32 $5.000000000e-01, v2  }
0xa8: {  	v3 =	vsub.s32 $0x5F3759DF, v3  }
0xa9: {  	v4 =	vmul.f32 v3, v2;
	_ =	sdelay $0x1  }
0xaa: {  	v4 =	vmul.f32 v3, v4;
	_ =	sdelay $0x1  }
0xab: {  	v4 =	vsub.f32 $1.500000000e+00, v4;
	_ =	sdelay $0x1  }
0xac: {  	v3 =	vmul.f32 v3, v4;
	_ =	sdelay $0x1  }
0xad: {  	v4 =	vmul.f32 v3, v2;
	_ =	sdelay $0x1  }
0xae: {  	v4 =	vmul.f32 v4, v3;
	_ =	sdelay $0x1  }
0xaf: {  	v4 =	vsub.f32 $1.500000000e+00, v4;
	_ =	sdelay $0x1  }
0xb0: {  	v3 =	vmul.f32 v4, v3;
	_ =	sdelay $0x1  }
0xb1: {  	v2 =	vmul.f32 v3, v2;
	_ =	sdelay $0x1  }
0xb2: {  	v2 =	vmul.f32 v2, v3;
	_ =	sdelay $0x1  }
.Ltmp2:
0xb3: {  	v2 =	vsub.f32 $1.500000000e+00, v2;
	(pc) =	sbr.rel @p0 .LBB2_6-.Ltmp2, $3  }
0xb4: {  	_ = 	snop  }
0xb5: {  	v2 =	vmul.f32 v2, v3;
	_ =	sdelay $0x1  }
0xb6: {  	[tilespmem:s1+$0xED80] =	vst v2;
	s1 =	sshra.s32 s18, $0x2;
	s18 =	sadd.s32 $0x40, s18  }
0xb7: {  	v2 =	vld [tilespmem:s1+$0xED80];
	_ =	sdelay $0x4  }
0xb8: {  	v2 =	vadd.f32 $1.000000000e+00, v2;
	_ =	sdelay $0x1  }
0xb9: {  	v3 =	vshrl.u32 v2, $0x1;
	v2 =	vmul.f32 $5.000000000e-01, v2  }
0xba: {  	v3 =	vsub.s32 $0x5F3759DF, v3  }
0xbb: {  	v4 =	vmul.f32 v3, v2;
	_ =	sdelay $0x1  }
0xbc: {  	v4 =	vmul.f32 v3, v4;
	_ =	sdelay $0x1  }
0xbd: {  	v4 =	vsub.f32 $1.500000000e+00, v4;
	_ =	sdelay $0x1  }
0xbe: {  	v3 =	vmul.f32 v3, v4;
	_ =	sdelay $0x1  }
0xbf: {  	v4 =	vmul.f32 v3, v2;
	_ =	sdelay $0x1  }
0xc0: {  	v4 =	vmul.f32 v4, v3;
	_ =	sdelay $0x1  }
0xc1: {  	v4 =	vsub.f32 $1.500000000e+00, v4;
	_ =	sdelay $0x1  }
0xc2: {  	v3 =	vmul.f32 v4, v3;
	_ =	sdelay $0x1  }
0xc3: {  	v2 =	vmul.f32 v3, v2;
	_ =	sdelay $0x1  }
0xc4: {  	v2 =	vmul.f32 v2, v3;
	_ =	sdelay $0x1  }
0xc5: {  	v2 =	vsub.f32 $1.500000000e+00, v2;
	_ =	sdelay $0x1  }
0xc6: {  	s18 =	sadd.s32 $0x0, s2;
	v2 =	vmul.f32 v2, v3  }
0xc7: {  	s14 =	sand.u32 $0x70, s14;
	s18 =	sand.u32 $0x7F80, s18  }
0xc8: {  	s14 =	sor.u32 s14, s18;
	[tilespmem:s1+$0xED80] =	vst v2  }
0xc9: {  	v2 =	vld [tilespmem:s14+$0xED80];
	_ =	sdelay $0x2  }
0xca: {  	s15 =	sadd.s32 $0x10, s2;
	s14 =	simm.s32 $0x10  }
0xcb: {  	s18 =	sand.u32 $0x7F80, s15;
	s1 =	simm.s32 $0x11580;
	s14 =	sand.u32 $0x70, s14  }
0xcc: {  	s18 =	sor.u32 s14, s18;
	[tilespmem:s1+$0x0] =	vst v2  }
0xcd: {  	s14 =	simm.s32 $0x20;
	v2 =	vld [tilespmem:s18+$0xED80]  }
.LBB2_8:
0xce: {  	p0 =	sne.s32 s14, $0x270  }
.Ltmp3:
0xcf: {  	_ = 	snop;
	(pc) =	sbr.rel @p0 .LBB2_8-.Ltmp3, $4  }
0xd0: {  	s18 =	sadd.s32 s14, s2;
	s15 =	smov.u32 s14  }
0xd1: {  	s1 =	sadd.s32 $0x10, s1;
	s18 =	sand.u32 $0x7F80, s18;
	s15 =	sand.u32 $0x70, s15  }
0xd2: {  	s15 =	sor.u32 s15, s18;
	[tilespmem:s1+$0x0] =	vst v2  }
0xd3: {  	s14 =	sadd.s32 $0x10, s14;
	v2 =	vld [tilespmem:s15+$0xED80]  }
0xd4: {  	_ =	sdelay $0x2  }
0xd5: {  	s1 =	sadd.s32 $0x10, s1  }
0xd6: {  	s18 =	simm.s32 $0x0;
	s14 =	rddreg [dreg:$0x18];
	[tilespmem:s1+$0x0] =	vst v2  }
0xd7: {  	[hbm4b:s14+s18] =	stream.linear.scatter [tilespmem:s22], [sflag:$0x4], $0x280, $0x38;
	[tilespmem:$0x1C200] =	vst v63  }
0xd8: {  	_ =	swait.ge [sflag:s21], $0x280  }
0xd9: {  	[sflag:s21] =	ssyncset.done $0x0  }
0xda: {  	[sflag:s21] =	ssyncadd.s32 $0xFFFFFD80  }
0xdb: {  	_ =	swait.ge [sflag:s12], $0x2710  }
0xdc: {  	[sflag:s12] =	ssyncset.done $0x0  }
0xdd: {  	[sflag:s12] =	ssyncadd.s32 $0xFFFFD8F0  }
0xde: {  	_ =	swait.ge [sflag:s23], $0x2710  }
0xdf: {  	[sflag:s23] =	ssyncset.done $0x0  }
0xe0: {  	s14 =	simm.s32 $0x0;
	[sflag:s23] =	ssyncadd.s32 $0xFFFFD8F0  }
0xe1: {  	v3 =	vld [tilespmem:s14+$0x2780];
	_ =	sdelay $0x5  }
0xe2: {  	s1 =	simm.s32 $0x10  }
0xe3: {  	v2 =	vld [tilespmem:s1+$0x2780]  }
0xe4: {  	v6 =	vld.idx.msk [tilespmem:v3+s17+$0x0], $0xffff  }
0xe5: {  	v5 =	vld [tilespmem:s14+$0x0]  }
0xe6: {  	v4 =	vld.idx.msk [tilespmem:v3+s11+$0x0], $0xffff;
	_ =	sdelay $0x2  }
0xe7: {  	s18 =	simm.s32 $0x80;
	v3 =	vmov v2;
	v6 =	vmul.u32 $0x2800, v6  }
.LBB2_10:
0xe8: {  	_ = 	snop  }
0xe9: {  	p0 =	sne.s32 s18, $0x9C00;
	[tilespmem:s14+$0x4F00] =	vst v4;
	s15 =	smov.u32 s18;
	s18 =	sadd.s32 $0x40, s18;
	v4 =	vadd.s32 v5, v6  }
0xea: {  	[tilespmem:s14+$0x7680] =	vst v4;
	s14 =	smov.u32 s1  }
0xeb: {  	s1 =	sshra.s32 s15, $0x2;
	v6 =	vld.idx.msk [tilespmem:v2+s17+$0x0], $0xffff  }
0xec: {  	v2 =	vld [tilespmem:s1+$0x2780]  }
.Ltmp4:
0xed: {  	v4 =	vld.idx.msk [tilespmem:v3+s11+$0x0], $0xffff;
	(pc) =	sbr.rel @p0 .LBB2_10-.Ltmp4, $2  }
0xee: {  	v5 =	vld [tilespmem:s14+$0x0];
	_ =	sdelay $0x2  }
0xef: {  	v6 =	vmul.u32 $0x2800, v6;
	v3 =	vmov v2  }
0xf0: {  	_ =	sdelay $0x1  }
0xf1: {  	[tilespmem:s14+$0x4F00] =	vst v4;
	v63 =	vadd.s32 v5, v6  }
0xf2: {  	[tilespmem:s14+$0x7680] =	vst v63  }
0xf3: {  	v2 =	vld.idx.msk [tilespmem:v2+s17+$0x0], $0xffff  }
0xf4: {  	v3 =	vld.idx.msk [tilespmem:v3+s11+$0x0], $0xffff  }
0xf5: {  	v4 =	vld [tilespmem:s1+$0x0];
	_ =	sdelay $0x2  }
0xf6: {  	v2 =	vmul.u32 $0x2800, v2;
	_ =	sdelay $0x1  }
0xf7: {  	[tilespmem:s1+$0x4F00] =	vst v3;
	v2 =	vadd.s32 v4, v2  }
0xf8: {  	s15 =	rddreg [dreg:$0x2];
	s18 =	simm.s32 $0x7680;
	[tilespmem:s1+$0x7680] =	vst v2  }
0xf9: {  	[spmem:s15] =	stream.indirect.scatter.add.f32 [tilespmem:s25], [sflag:$0x4], $0x1, s18, s24, $0xb8;
	[tilespmem:$0x1C200] =	vst v63  }
0xfa: {  	_ =	swait.ge [sflag:s21], $0x2710  }
0xfb: {  	[sflag:s21] =	ssyncset.done $0x0  }
0xfc: {  	s15 =	stileid.u32;
	[sflag:s21] =	ssyncadd.s32 $0xFFFFD8F0  }
0xfd: {  	s1 =	sshll.u32 s15, $0x6;
	[bflag:$0x0] =	sbarrier.arrive $0xFFFF  }
0xfe: {  	s18 =	sshrl.u32 s26, $0x3;
	s1 =	sor.u32 $0x1C04, s1;
	s15 =	rddreg [dreg:$0x5]  }
0xff: {  	[hbm:s15], [sflag:s1] =	dma.local [spmem:s18], $0x140  }
0x100: {  	_ =	swait.ge [sflag:s21], $0x140  }
0x101: {  	[sflag:s21] =	ssyncset.done $0x0  }
0x102: {  	s15 =	sshrl.u32 s28, $0x3;
	s18 =	rddreg [dreg:$0x6];
	[sflag:s21] =	ssyncadd.s32 $0xFFFFFEC0  }
0x103: {  	[hbm:s18], [sflag:s1] =	dma.local [spmem:s15], $0x140  }
0x104: {  	_ =	swait.ge [sflag:s21], $0x140  }
0x105: {  	[sflag:s21] =	ssyncset.done $0x0  }
0x106: {  	s15 =	sshrl.u32 s29, $0x3;
	s18 =	rddreg [dreg:$0x7];
	[sflag:s21] =	ssyncadd.s32 $0xFFFFFEC0  }
0x107: {  	[hbm:s18], [sflag:s1] =	dma.local [spmem:s15], $0x140  }
0x108: {  	_ =	swait.ge [sflag:s21], $0x140  }
0x109: {  	[sflag:s21] =	ssyncset.done $0x0  }
0x10a: {  	s15 =	sshrl.u32 s30, $0x3;
	s18 =	rddreg [dreg:$0x8];
	[sflag:s21] =	ssyncadd.s32 $0xFFFFFEC0  }
0x10b: {  	[hbm:s18], [sflag:s1] =	dma.local [spmem:s15], $0x140  }
0x10c: {  	_ =	swait.ge [sflag:s21], $0x140  }
0x10d: {  	[sflag:s21] =	ssyncset.done $0x0  }
0x10e: {  	s15 =	sshrl.u32 s31, $0x3;
	s18 =	rddreg [dreg:$0x9];
	[sflag:s21] =	ssyncadd.s32 $0xFFFFFEC0  }
0x10f: {  	[hbm:s18], [sflag:s1] =	dma.local [spmem:s15], $0x140  }
0x110: {  	_ =	swait.ge [sflag:s21], $0x140  }
0x111: {  	[sflag:s21] =	ssyncset.done $0x0  }
0x112: {  	s15 =	sshrl.u32 s19, $0x3;
	s18 =	rddreg [dreg:$0xa];
	[sflag:s21] =	ssyncadd.s32 $0xFFFFFEC0  }
0x113: {  	[hbm:s18], [sflag:s1] =	dma.local [spmem:s15], $0x140  }
0x114: {  	_ =	swait.ge [sflag:s21], $0x140  }
0x115: {  	[sflag:s21] =	ssyncset.done $0x0  }
0x116: {  	s15 =	sshrl.u32 s0, $0x3;
	s18 =	rddreg [dreg:$0xb];
	[sflag:s21] =	ssyncadd.s32 $0xFFFFFEC0  }
0x117: {  	[hbm:s18], [sflag:s1] =	dma.local [spmem:s15], $0x140  }
0x118: {  	_ =	swait.ge [sflag:s21], $0x140  }
0x119: {  	[sflag:s21] =	ssyncset.done $0x0  }
0x11a: {  	s15 =	sshrl.u32 s20, $0x3;
	s18 =	rddreg [dreg:$0xc];
	[sflag:s21] =	ssyncadd.s32 $0xFFFFFEC0  }
0x11b: {  	[hbm:s18], [sflag:s1] =	dma.local [spmem:s15], $0x140  }
0x11c: {  	_ =	swait.ge [sflag:s21], $0x140  }
0x11d: {  	[sflag:s21] =	ssyncset.done $0x0  }
0x11e: {  	s15 =	sshrl.u32 s4, $0x3;
	s18 =	rddreg [dreg:$0xd];
	[sflag:s21] =	ssyncadd.s32 $0xFFFFFEC0  }
0x11f: {  	[hbm:s18], [sflag:s1] =	dma.local [spmem:s15], $0x140  }
0x120: {  	_ =	swait.ge [sflag:s21], $0x140  }
0x121: {  	[sflag:s21] =	ssyncset.done $0x0  }
0x122: {  	s15 =	sshrl.u32 s5, $0x3;
	s18 =	rddreg [dreg:$0xe];
	[sflag:s21] =	ssyncadd.s32 $0xFFFFFEC0  }
0x123: {  	[hbm:s18], [sflag:s1] =	dma.local [spmem:s15], $0x140  }
0x124: {  	_ =	swait.ge [sflag:s21], $0x140  }
0x125: {  	[sflag:s21] =	ssyncset.done $0x0  }
0x126: {  	s15 =	sshrl.u32 s3, $0x3;
	s18 =	rddreg [dreg:$0xf];
	[sflag:s21] =	ssyncadd.s32 $0xFFFFFEC0  }
0x127: {  	[hbm:s18], [sflag:s1] =	dma.local [spmem:s15], $0x140  }
0x128: {  	_ =	swait.ge [sflag:s21], $0x140  }
0x129: {  	[sflag:s21] =	ssyncset.done $0x0  }
0x12a: {  	s15 =	sshrl.u32 s6, $0x3;
	s18 =	rddreg [dreg:$0x10];
	[sflag:s21] =	ssyncadd.s32 $0xFFFFFEC0  }
0x12b: {  	[hbm:s18], [sflag:s1] =	dma.local [spmem:s15], $0x140  }
0x12c: {  	_ =	swait.ge [sflag:s21], $0x140  }
0x12d: {  	[sflag:s21] =	ssyncset.done $0x0  }
0x12e: {  	s15 =	sshrl.u32 s7, $0x3;
	s18 =	rddreg [dreg:$0x11];
	[sflag:s21] =	ssyncadd.s32 $0xFFFFFEC0  }
0x12f: {  	[hbm:s18], [sflag:s1] =	dma.local [spmem:s15], $0x140  }
0x130: {  	_ =	swait.ge [sflag:s21], $0x140  }
0x131: {  	[sflag:s21] =	ssyncset.done $0x0  }
0x132: {  	s15 =	sshrl.u32 s8, $0x3;
	s18 =	rddreg [dreg:$0x12];
	[sflag:s21] =	ssyncadd.s32 $0xFFFFFEC0  }
0x133: {  	[hbm:s18], [sflag:s1] =	dma.local [spmem:s15], $0x140  }
0x134: {  	_ =	swait.ge [sflag:s21], $0x140  }
0x135: {  	[sflag:s21] =	ssyncset.done $0x0  }
0x136: {  	s15 =	sshrl.u32 s9, $0x3;
	s18 =	rddreg [dreg:$0x13];
	[sflag:s21] =	ssyncadd.s32 $0xFFFFFEC0  }
0x137: {  	[hbm:s18], [sflag:s1] =	dma.local [spmem:s15], $0x140  }
0x138: {  	_ =	swait.ge [sflag:s21], $0x140  }
0x139: {  	[sflag:s21] =	ssyncset.done $0x0  }
0x13a: {  	s15 =	sshrl.u32 s10, $0x3;
	s18 =	rddreg [dreg:$0x14];
	[sflag:s21] =	ssyncadd.s32 $0xFFFFFEC0  }
0x13b: {  	[hbm:s18], [sflag:s1] =	dma.local [spmem:s15], $0x140  }
0x13c: {  	_ =	swait.ge [sflag:s21], $0x140  }
0x13d: {  	s13 =	sadd.s32 $0x1, s13;
	s18 =	rddreg [dreg:$0x19]  }
0x13e: {  	p0 =	sne.s32 s13, s18  }
.Ltmp5:
0x13f: {  	_ = 	snop;
	(pc) =	sbr.rel @p0 .LBB2_1-.Ltmp5, $3  }
0x140: {  	_ =	sdelay $0x1  }
0x141: {  	[sflag:s21] =	ssyncset.done $0x0  }
0x142: {  	[sflag:s21] =	ssyncadd.s32 $0xFFFFFEC0;
	s18 =	simm.s32 $0x2780  }
0x143: {  	_ =	sfence.sel $0x180000  }
0x144: {  	[bflag:$0x0] =	sbarrier.arrive $0xFFFF  }
0x145: {  	_ =	strace $0x90000047  }
0x146: {  	s0 =	stileid.u32;
	[bflag:$0x2] =	sbarrier.arrive $0xFFFF  }
0x147: {  	p0 =	sne.s32 s0, $0x0;
	s0 =	rddreg [dreg:$0x3]  }
0x148: {  	s0 =	sadd.s32 @!p0 $0x100000, s0  }
0x149: {  	[sflag:s0] =	ssyncadd.tile.s32 @!p0 $0x1;
	_ =	shalt  }
.Lfunc_end2:
_tile_overlayer_lowered:
.L_overlay_start_2:
0x14a: {  	(tag) =	ssettag $0x2  }
0x14b: {  	s0 =	rddreg [dreg:$0x0];
	s2 =	stileid.u32  }
0x14c: {  	s1 =	rddreg [dreg:$0x1];
	p0 =	sne.s32 s2, $0x0  }
0x14d: {  	s3 =	rddreg [dreg:$0x2];
	[bflag:$0x3] =	sbarrier.arrive $0xFFFF;
	s2 =	simm.s32 @!p0 $0x1C04  }
0x14e: {  	[timem:s3], [sflag:s2] =	dma.local @!p0 [hbm:s0], s1  }
0x14f: {  	s0 =	simm.s32 @!p0 $0x4  }
0x150: {  	_ =	swait.ge @!p0 [sflag:s0], s1  }
0x151: {  	s1 =	ssub.s32 @!p0 $0x0, s1;
	[sflag:s0] =	ssyncset.done @!p0 $0x0  }
0x152: {  	[sflag:s0] =	ssyncadd.s32 @!p0 s1  }
0x153: {  	[bflag:$0x3] =	sbarrier.arrive $0xFFFF  }
0x154: {  	_ =	shalt  }

// kernel: kernel.9.cloned.1.call-start
scs
__scs_entry_jumppad:
0x0: {  	(pc) =	sbr.rel $0x88, $3  }
0x1: {  	(tag) =	ssettag $0x0;
	lr =	simm.s32 $0x1  }
0x2: {  	[smem:$0x3F9A] =	sst lr;
	_ =	strace $0xD0000000  }
0x3: {  	_ = 	snop  }
0x4: {  	_ = 	snop  }
0x5: {  	_ = 	snop  }
0x6: {  	_ = 	snop  }
0x7: {  	_ = 	snop  }
__scs_overlays_trampoline_lowered:
0x8: {  	[smem:$0x3FA9] =	sst s0  }
0x9: {  	[smem:$0x3FAA] =	sst s1  }
0xa: {  	[smem:$0x3FAB] =	sst s2  }
0xb: {  	[smem:$0x3FAC] =	sst s3  }
0xc: {  	[smem:$0x3FAD] =	sst s4  }
0xd: {  	[smem:$0x3FAE] =	sst s5  }
0xe: {  	[smem:$0x3FAF] =	sst s6  }
0xf: {  	[smem:$0x3FB0] =	sst s7  }
0x10: {  	[smem:$0x3FB1] =	sst s8  }
0x11: {  	[smem:$0x3FB2] =	sst s9;
	s0 =	simm.s32 @!p0 $0x0  }
0x12: {  	s1 =	sld [smem:$0x3F98];
	s0 =	simm.s32 @p0 $0x1  }
0x13: {  	[smem:$0x3FB3] =	sst s0;
	s0 =	simm.s32 @!p1 $0x0  }
0x14: {  	s2 =	sld [smem:$0x3F97];
	s0 =	simm.s32 @p1 $0x1  }
0x15: {  	[smem:$0x3FB4] =	sst s0;
	s0 =	simm.s32 @!p2 $0x0  }
0x16: {  	s3 =	sld [smem:$0x3FDB];
	s0 =	simm.s32 @p2 $0x1  }
0x17: {  	s4 =	simm.s32 $0x1BF5;
	[smem:$0x3FB6] =	sst s0  }
0x18: {  	s0 =	sld [smem:$0x3F99];
	_ =	swait.ge [sflag:s4], $0x0  }
0x19: {  	s7 =	sld [smem:$0x3F9A]  }
0x1a: {  	s8 =	sadd.s32 $0xFFFFE003, lr  }
0x1b: {  	s9 =	sadd.s32 $0xFFFFFEF7, lr;
	s5 =	simm.s32 $0xFFFFFFFF;
	p2 =	slt.u32 s8, $0xFFFFF086  }
0x1c: {  	p1 =	slt.u32 s9, $0xF7A;
	s5 =	simm.s32 @!p2 $0x0  }
0x1d: {  	s5 =	simm.s32 @p1 $0x1;
	p0 =	seq.s32 s7, s2  }
0x1e: {  	s7 =	smul.u32 @!p0 $0xF7A, s2;
	p2 =	seq.s32 @!p0 s5, $0x0  }
0x1f: {  	s9 =	smul.u32 $0xF7A, s1;
	s8 =	simm.s32 @!p0 $0x1BF5;
	p2 =	por !p2, p0  }
0x20: {  	[sflag:s8] =	ssyncset.s32 @!p0 $0xFFFFF086;
	s6 =	sadd.s32 @!p0 s3, s7;
	s7 =	simm.s32 @!p0 $0x108  }
0x21: {  	s3 =	sadd.s32 s3, s9;
	s6 =	sadd.s32 @!p0 $0x88, s6;
	s7 =	simm.s32 @p2 $0x1082  }
0x22: {  	[simem:s7], [sflag:s8] =	dma.local @!p0 [hbm:s6], $0xF7A  }
0x23: {  	s9 =	sor.u32 $0xD0000000, s2;
	s6 =	simm.s32 $0x108;
	_ =	swait.ge @!p0 [sflag:s8], $0x0  }
0x24: {  	s3 =	sadd.s32 $0x88, s3;
	s6 =	simm.s32 @!p1 $0x1082;
	[sflag:s4] =	ssyncset.s32 $0xFFFFF086  }
0x25: {  	[simem:s6], [sflag:s4] =	dma.local [hbm:s3], $0xF7A  }
0x26: {  	[smem:$0x3F9A] =	sst s1;
	(tag) =	ssettag s2;
	_ =	strace s9  }
0x27: {  	s1 =	sld [smem:$0x3FAA]  }
0x28: {  	s2 =	sld [smem:$0x3FAB]  }
0x29: {  	s4 =	sld [smem:$0x3FAD]  }
0x2a: {  	p0 =	seq.s32 s5, $0x0;
	s5 =	sld [smem:$0x3FAE]  }
0x2b: {  	s6 =	sld [smem:$0x3FAF]  }
0x2c: {  	s7 =	sld [smem:$0x3FB0]  }
0x2d: {  	s3 =	simm.s32 $0x108;
	s8 =	sld [smem:$0x3FB1]  }
0x2e: {  	s3 =	simm.s32 @!p0 $0x1082;
	s9 =	sld [smem:$0x3FB2]  }
0x2f: {  	lr =	sadd.s32 s0, s3;
	s0 =	sld [smem:$0x3FA9]  }
0x30: {  	s3 =	sld [smem:$0x3FAC]  }
0x31: {  	[smem:$0x3FB5] =	sst s10  }
0x32: {  	s10 =	sld [smem:$0x3FB3];
	_ =	sdelay $0x3  }
0x33: {  	p0 =	seq.s32 s10, $0x1;
	s10 =	sld [smem:$0x3FB5];
	_ =	sdelay $0x3  }
0x34: {  	[smem:$0x3FB5] =	sst s10  }
0x35: {  	s10 =	sld [smem:$0x3FB4];
	_ =	sdelay $0x3  }
0x36: {  	p1 =	seq.s32 s10, $0x1;
	s10 =	sld [smem:$0x3FB5];
	_ =	sdelay $0x3  }
0x37: {  	[smem:$0x3FB5] =	sst s10  }
0x38: {  	s10 =	sld [smem:$0x3FB6]  }
0x39: {  	_ = 	snop;
	(pc) =	sbr.ind lr, $3  }
0x3a: {  	_ = 	snop  }
0x3b: {  	_ = 	snop  }
0x3c: {  	p2 =	seq.s32 s10, $0x1;
	s10 =	sld [smem:$0x3FB5]  }
0x3d: {  	_ =	shalt  }
0x3e: {  	_ =	shalt  }
0x3f: {  	_ =	shalt  }
0x40: {  	_ =	shalt  }
0x41: {  	_ =	shalt  }
0x42: {  	_ =	shalt  }
0x43: {  	_ =	shalt  }
0x44: {  	_ =	shalt  }
0x45: {  	_ =	shalt  }
0x46: {  	_ =	shalt  }
0x47: {  	_ =	shalt  }
0x48: {  	_ =	shalt  }
0x49: {  	_ =	shalt  }
0x4a: {  	_ =	shalt  }
0x4b: {  	_ =	shalt  }
0x4c: {  	_ =	shalt  }
0x4d: {  	_ =	shalt  }
0x4e: {  	_ =	shalt  }
0x4f: {  	_ =	shalt  }
0x50: {  	_ =	shalt  }
0x51: {  	_ =	shalt  }
0x52: {  	_ =	shalt  }
0x53: {  	_ =	shalt  }
0x54: {  	_ =	shalt  }
0x55: {  	_ =	shalt  }
0x56: {  	_ =	shalt  }
0x57: {  	_ =	shalt  }
0x58: {  	_ =	shalt  }
0x59: {  	_ =	shalt  }
0x5a: {  	_ =	shalt  }
0x5b: {  	_ =	shalt  }
0x5c: {  	_ =	shalt  }
0x5d: {  	_ =	shalt  }
0x5e: {  	_ =	shalt  }
0x5f: {  	_ =	shalt  }
0x60: {  	_ =	shalt  }
0x61: {  	_ =	shalt  }
0x62: {  	_ =	shalt  }
0x63: {  	_ =	shalt  }
0x64: {  	_ =	shalt  }
0x65: {  	_ =	shalt  }
0x66: {  	_ =	shalt  }
0x67: {  	_ =	shalt  }
0x68: {  	_ =	shalt  }
0x69: {  	_ =	shalt  }
0x6a: {  	_ =	shalt  }
0x6b: {  	_ =	shalt  }
0x6c: {  	_ =	shalt  }
0x6d: {  	_ =	shalt  }
0x6e: {  	_ =	shalt  }
0x6f: {  	_ =	shalt  }
0x70: {  	_ =	shalt  }
0x71: {  	_ =	shalt  }
0x72: {  	_ =	shalt  }
0x73: {  	_ =	shalt  }
0x74: {  	_ =	shalt  }
0x75: {  	_ =	shalt  }
0x76: {  	_ =	shalt  }
0x77: {  	_ =	shalt  }
0x78: {  	_ =	shalt  }
0x79: {  	_ =	shalt  }
0x7a: {  	_ =	shalt  }
0x7b: {  	_ =	shalt  }
0x7c: {  	_ =	shalt  }
0x7d: {  	_ =	shalt  }
0x7e: {  	_ =	shalt  }
0x7f: {  	_ =	shalt  }
0x80: {  	_ =	shalt  }
0x81: {  	_ =	shalt  }
0x82: {  	_ =	shalt  }
0x83: {  	_ =	shalt  }
0x84: {  	_ =	shalt  }
0x85: {  	_ =	shalt  }
0x86: {  	_ =	shalt  }
0x87: {  	_ =	shalt  }
.Lfunc_end0:
.L_simem_size_0:
called_computation.1_lowered:
.L_overlay_start_0:
0x88: {  	s2 =	sld [smem:$0x3FD9]  }
0x89: {  	s3 =	sld [smem:$0x3FFE];
	_ =	sdelay $0x1  }
0x8a: {  	s1 =	srdreg.scid  }
0x8b: {  	s0 =	sand.u32 $0x1, s1  }
0x8c: {  	s16 =	sshll.u32 s0, $0xA;
	s2 =	sadd.s32 s3, s2  }
0x8d: {  	s2 =	sadd.s32 s2, s16  }
0x8e: {  	[smem:$0x3FC1] =	sst s2  }
0x8f: {  	_ = 	snop  }
0x90: {  	(tm) =	ssettm $0x1  }
0x91: {  	s17 =	sld [smem:$0x3FFB];
	_ =	sdelay $0x3  }
0x92: {  	_ =	strace s17  }
0x93: {  	s2 =	sld [smem:$0x3FFC];
	_ =	sdelay $0x3  }
0x94: {  	_ =	strace s2  }
0x95: {  	s2 =	sld [smem:$0x3FFD];
	_ =	sdelay $0x3  }
0x96: {  	_ =	strace s2  }
0x97: {  	_ =	strace $0x8FFFFFFF  }
0x98: {  	s18 =	sld [smem:$0x3FDB];
	_ =	sdelay $0x1  }
0x99: {  	s19 =	simm.s32 $_scs_section_size  }
0x9a: {  	s4 =	simm.s32 $_size__tile_overlayer_lowered;
	s5 =	simm.s32 $_tile_overlayer_lowered  }
0x9b: {  	s22 =	simm.s32 $0x1BFF;
	s21 =	sshll.u32 s5, $0x1;
	s2 =	sadd.s32 s19, s18  }
0x9c: {  	s6 =	simm.s32 $0x0;
	s20 =	sshll.u32 s4, $0x1;
	s4 =	sadd.s32 s21, s2  }
0x9d: {  	[timem:s6], [sflag:s22] =	dma.local [hbm:s4], s20  }
0x9e: {  	_ =	swait.ge [sflag:s22], s20  }
0x9f: {  	s3 =	ssub.s32 $0x0, s20;
	[sflag:s22] =	ssyncset.done $0x0  }
0xa0: {  	[sflag:s22] =	ssyncadd.s32 s3;
	_ =	sdelay $0x1  }
0xa1: {  	s23 =	simm.s32 $0x1B8B  }
0xa2: {  	_ =	swait.ge [sflag:s23], $0x1  }
0xa3: {  	[sflag:s23] =	ssyncset.done $0x0  }
0xa4: {  	s25 =	simm.s32 $0x1B8E;
	s24 =	sld [smem:$0x3FFE];
	[sflag:s23] =	ssyncadd.s32 $0xFFFFFFFF  }
0xa5: {  	s26 =	simm.s32 $execute0_lowered;
	[smem:$0x3FD2] =	sst s25  }
0xa6: {  	s4 =	sshll.u32 s26, $0x1;
	_ =	strace $0x80000049;
	[dreg:$0x1] =	wrdreg $0xFFFFFFFF  }
0xa7: {  	s28 =	simm.s32 $_size_execute0_lowered;
	s2 =	sadd.s32 s2, s4;
	[dreg:$0x0] =	wrdreg $0x0  }
0xa8: {  	s4 =	sshll.u32 s28, $0x1;
	[dreg:$0x2] =	wrdreg s2  }
0xa9: {  	[dreg:$0x3] =	wrdreg s4  }
0xaa: {  	[dreg:$0x4] =	wrdreg $0xC0  }
0xab: {  	_ =	task [dreg:s6], $0x5FFFF  }
0xac: {  	[dreg:$0x1] =	wrdreg $0xFFFFFFFF  }
0xad: {  	[dreg:$0x0] =	wrdreg $0x60  }
0xae: {  	[dreg:$0x2] =	wrdreg s24  }
0xaf: {  	[dreg:$0x3] =	wrdreg $0x9F000  }
0xb0: {  	[dreg:$0x4] =	wrdreg $0x9  }
0xb1: {  	_ =	task.clear_ibuf [dreg:s6], $0x5FFFF;
	_ =	strace $0x90000049  }
0xb2: {  	s29 =	simm.s32 $0x9;
	_ =	strace $0x8000004B  }
0xb3: {  	_ =	swait.ge [sflag:s29], $0x1  }
0xb4: {  	[sflag:s29] =	ssyncadd.s32 $0xFFFFFFFF  }
0xb5: {  	_ =	strace $0x9000004B  }
0xb6: {  	_ =	sfence  }
0xb7: {  	s30 =	sld [smem:$0x0];
	_ =	sdelay $0x2  }
0xb8: {  	s31 =	sshll.u32 s1, $0xD;
	s1 =	sshrl.u32 s1, $0x2  }
0xb9: {  	s3 =	sand.u32 $0x4000, s31;
	s1 =	sadd.s32 s1, s30  }
0xba: {  	s0 =	sor.u32 s3, s0;
	s1 =	sshll.u32 s1, $0x11  }
0xbb: {  	s0 =	sor.u32 s1, s0  }
0xbc: {  	s0 =	sadd.s32 $0x8F2B, s0  }
0xbd: {  	[sflag:s0] =	ssyncadd.remote.s32 $0x1  }
0xbe: {  	_ =	sfence.sel $0xFFFF  }
0xbf: {  	[dreg:$0x0] =	wrdreg $0xFFFFFFFF;
	(pc) =	sbr.abs _section_cstart, $3  }
0xc0: {  	[dreg:$0x1] =	wrdreg $0xFFFFFFFF  }
0xc1: {  	_ =	task.clear_ibuf [dreg:s6], $0x2FFFF;
	_ =	strace $0x9FFFFFFF  }
0xc2: {  	(tm) =	ssettm $0x7FFFFFFF  }
0xc3: {  	_ =	shalt  }
tec
execute0_lowered:
.L_overlay_start_1:
0x0: {  	(tag) =	ssettag $0x1  }
0x1: {  	s0 =	srdreg.scid;
	s6 =	rddreg [dreg:$0x0]  }
0x2: {  	s2 =	rddreg [dreg:$0x1];
	s3 =	simm.s32 $0x0;
	s17 =	simm.s32 $0x4F00  }
0x3: {  	s18 =	simm.s32 $0x3;
	s19 =	simm.s32 $0x2780;
	s20 =	simm.s32 $0x50  }
0x4: {  	s21 =	simm.s32 $0x7700;
	s5 =	sand.u32 $0x1, s0;
	s0 =	stileid.u32  }
0x5: {  	s22 =	simm.s32 $0x1;
	s23 =	simm.s32 $0x2;
	s7 =	smul.u32 $0x2800, s0  }
0x6: {  	s24 =	simm.s32 $0x4E40;
	s1 =	sshll.u32 s5, $0x4;
	s8 =	smul.u32 $0x50000, s0  }
0x7: {  	s9 =	smul.u32 $0x28000, s5;
	s10 =	ssub.s32 $0x2, s5;
	s1 =	sor.u32 s0, s1  }
0x8: {  	[smem:$0x7FF] =	sst s3;
	s31 =	sshrl.u32 s10, $0x1;
	s4 =	smul.u32 $0x2710, s1  }
0x9: {  	s1 =	rddreg [dreg:$0x2];
	_ =	strace $0x8000004A;
	s30 =	sshrl.u32 s8, $0x2  }
0xa: {  	s7 =	sadd.s32 s7, s9;
	s16 =	ssub.s32 s10, s31;
	s5 =	sadd.s32 s30, s2  }
0xb: {  	s15 =	sadd.s32 s7, s6;
	s16 =	smax.u32 s16, $0x1;
	s4 =	sshrl.u32 s4, $0x3  }
0xc: {  	s7 =	sadd.s32 $0x5000, s5;
	s8 =	sadd.s32 $0x7800, s5;
	s9 =	sadd.s32 $0xA000, s5  }
0xd: {  	s10 =	sadd.s32 $0xC800, s5;
	s11 =	sadd.s32 $0xF000, s5;
	s12 =	sadd.s32 $0x11800, s5  }
0xe: {  	s15 =	sadd.s32 $0x67A00, s15;
	s14 =	sadd.s32 s4, s6;
	s4 =	sadd.s32 $0x3FA00, s6  }
0xf: {  	v0 =	vimm.f32 $0.0e+00;
	s6 =	sadd.s32 $0x2800, s5;
	s13 =	sadd.s32 $0x3000, s14;
	s14 =	sadd.s32 $0xCC40, s14  }
.LBB2_1:
0x10: {  	s25 =	simm.s32 $0x70;
	s26 =	simm.s32 $0x3C0  }
.LBB2_2:
0x11: {  	p0 =	sne.s32 s26, $0x9FC0;
	[tilespmem:s25+$0x4F00] =	vst v0  }
0x12: {  	[tilespmem:s25+$0x4E90] =	vst v0  }
0x13: {  	[tilespmem:s25+$0x4EA0] =	vst v0  }
.Ltmp0:
0x14: {  	[tilespmem:s25+$0x4EB0] =	vst v0;
	(pc) =	sbr.rel @p0 .LBB2_2-.Ltmp0, $4  }
0x15: {  	[tilespmem:s25+$0x4EC0] =	vst v0  }
0x16: {  	[tilespmem:s25+$0x4ED0] =	vst v0  }
0x17: {  	[tilespmem:s25+$0x4EE0] =	vst v0  }
0x18: {  	[tilespmem:s25+$0x4EF0] =	vst v0;
	s25 =	sshra.s32 s26, $0x2;
	s26 =	sadd.s32 $0x200, s26  }
0x19: {  	[tilespmem:s25+$0x4F00] =	vst v0  }
0x1a: {  	[tilespmem:s25+$0x4E90] =	vst v0  }
0x1b: {  	[tilespmem:s25+$0x4EA0] =	vst v0  }
0x1c: {  	[tilespmem:s25+$0x4EB0] =	vst v0  }
0x1d: {  	[tilespmem:s25+$0x4EC0] =	vst v0  }
0x1e: {  	[tilespmem:s25+$0x4ED0] =	vst v0  }
0x1f: {  	[tilespmem:s25+$0x4EE0] =	vst v0  }
0x20: {  	[tilespmem:s25+$0x4EF0] =	vst v0  }
0x21: {  	[spmem:s5] =	stream.linear.scatter [tilespmem:s17], [sflag:$0x3], $0x2800, $0x38;
	[tilespmem:$0x1DF00] =	vst v63  }
0x22: {  	_ =	swait.ge [sflag:s18], $0x2800  }
0x23: {  	[sflag:s18] =	ssyncset.done $0x0  }
0x24: {  	[sflag:s18] =	ssyncadd.s32 $0xFFFFD800  }
0x25: {  	[spmem:s6] =	stream.linear.scatter [tilespmem:s17], [sflag:$0x3], $0x2800, $0x38;
	[tilespmem:$0x1DF00] =	vst v63  }
0x26: {  	_ =	swait.ge [sflag:s18], $0x2800  }
0x27: {  	[sflag:s18] =	ssyncset.done $0x0  }
0x28: {  	[sflag:s18] =	ssyncadd.s32 $0xFFFFD800  }
0x29: {  	[spmem:s7] =	stream.linear.scatter [tilespmem:s17], [sflag:$0x3], $0x2800, $0x38;
	[tilespmem:$0x1DF00] =	vst v63  }
0x2a: {  	_ =	swait.ge [sflag:s18], $0x2800  }
0x2b: {  	[sflag:s18] =	ssyncset.done $0x0  }
0x2c: {  	[sflag:s18] =	ssyncadd.s32 $0xFFFFD800  }
0x2d: {  	[spmem:s8] =	stream.linear.scatter [tilespmem:s17], [sflag:$0x3], $0x2800, $0x38;
	[tilespmem:$0x1DF00] =	vst v63  }
0x2e: {  	_ =	swait.ge [sflag:s18], $0x2800  }
0x2f: {  	[sflag:s18] =	ssyncset.done $0x0  }
0x30: {  	[sflag:s18] =	ssyncadd.s32 $0xFFFFD800  }
0x31: {  	[spmem:s9] =	stream.linear.scatter [tilespmem:s17], [sflag:$0x3], $0x2800, $0x38;
	[tilespmem:$0x1DF00] =	vst v63  }
0x32: {  	_ =	swait.ge [sflag:s18], $0x2800  }
0x33: {  	[sflag:s18] =	ssyncset.done $0x0  }
0x34: {  	[sflag:s18] =	ssyncadd.s32 $0xFFFFD800  }
0x35: {  	[spmem:s10] =	stream.linear.scatter [tilespmem:s17], [sflag:$0x3], $0x2800, $0x38;
	[tilespmem:$0x1DF00] =	vst v63  }
0x36: {  	_ =	swait.ge [sflag:s18], $0x2800  }
0x37: {  	[sflag:s18] =	ssyncset.done $0x0  }
0x38: {  	[sflag:s18] =	ssyncadd.s32 $0xFFFFD800  }
0x39: {  	[spmem:s11] =	stream.linear.scatter [tilespmem:s17], [sflag:$0x3], $0x2800, $0x38;
	[tilespmem:$0x1DF00] =	vst v63  }
0x3a: {  	_ =	swait.ge [sflag:s18], $0x2800  }
0x3b: {  	[sflag:s18] =	ssyncset.done $0x0  }
0x3c: {  	[sflag:s18] =	ssyncadd.s32 $0xFFFFD800  }
0x3d: {  	[spmem:s12] =	stream.linear.scatter [tilespmem:s17], [sflag:$0x3], $0x2800, $0x38;
	[tilespmem:$0x1DF00] =	vst v63  }
0x3e: {  	_ =	swait.ge [sflag:s18], $0x2800  }
0x3f: {  	[sflag:s18] =	ssyncset.done $0x0  }
0x40: {  	[sflag:s18] =	ssyncadd.s32 $0xFFFFD800  }
0x41: {  	s26 =	simm.s32 $0x0;
	[bflag:$0x0] =	sbarrier.arrive $0xFFFF  }
0x42: {  	[tilespmem:s26], [sflag:$0x3] =	stream.linear.gather [hbm4b:s13+s26], $0x2710, $0x38;
	[tilespmem:$0x1DF00] =	vst v63  }
0x43: {  	_ =	swait.ge [sflag:s18], $0x2710  }
0x44: {  	[sflag:s18] =	ssyncset.done $0x0  }
0x45: {  	[sflag:s18] =	ssyncadd.s32 $0xFFFFD8F0  }
0x46: {  	[tilespmem:s19], [sflag:$0x3] =	stream.linear.gather [hbm4b:s14+s26], $0x2710, $0x38;
	[tilespmem:$0x1DF00] =	vst v63  }
0x47: {  	_ =	swait.ge [sflag:s18], $0x2710  }
0x48: {  	[sflag:s18] =	ssyncset.done $0x0  }
0x49: {  	[sflag:s18] =	ssyncadd.s32 $0xFFFFD8F0  }
0x4a: {  	[tilespmem:s17], [sflag:$0x1] =	stream.indirect.gather [hbm4b:s4+s20], $0x80, s26, s20, $0xb8;
	[tilespmem:$0x1DF00] =	vst v63  }
0x4b: {  	s28 =	simm.s32 $0x50  }
0x4c: {  	[tilespmem:s21], [sflag:$0x2] =	stream.indirect.gather [hbm4b:s4+s20], $0x80, s28, s20, $0xb8;
	[tilespmem:$0x1DF00] =	vst v63  }
0x4d: {  	_ =	swait.ge [sflag:s22], $0x2800  }
0x4e: {  	[sflag:s22] =	ssyncset.done $0x0  }
0x4f: {  	s29 =	simm.s32 $0x2780;
	[sflag:s22] =	ssyncadd.s32 $0xFFFFD800  }
0x50: {  	[spmem:s2] =	stream.indirect.scatter.add.f32 [tilespmem:s17], [sflag:$0x3], $0x80, s29, s20, $0xb8;
	[tilespmem:$0x1DF00] =	vst v63  }
0x51: {  	_ =	swait.ge [sflag:s18], $0x2800  }
0x52: {  	[sflag:s18] =	ssyncset.done $0x0  }
0x53: {  	s30 =	simm.s32 $0xA0;
	[sflag:s18] =	ssyncadd.s32 $0xFFFFD800  }
0x54: {  	[tilespmem:s17], [sflag:$0x1] =	stream.indirect.gather [hbm4b:s4+s20], $0x80, s30, s20, $0xb8;
	[tilespmem:$0x1DF00] =	vst v63  }
0x55: {  	_ =	swait.ge [sflag:s23], $0x2800  }
0x56: {  	[sflag:s23] =	ssyncset.done $0x0  }
0x57: {  	s31 =	simm.s32 $0x27D0;
	[sflag:s23] =	ssyncadd.s32 $0xFFFFD800  }
0x58: {  	[spmem:s2] =	stream.indirect.scatter.add.f32 [tilespmem:s21], [sflag:$0x3], $0x80, s31, s20, $0xb8;
	[tilespmem:$0x1DF00] =	vst v63  }
0x59: {  	_ =	swait.ge [sflag:s18], $0x2800  }
0x5a: {  	s25 =	simm.s32 $0xA0;
	s26 =	simm.s32 $0x500;
	[sflag:s18] =	ssyncset.done $0x0  }
.LBB2_4:
0x5b: {  	s28 =	sadd.s32 $0x50, s25  }
0x5c: {  	[sflag:s18] =	ssyncadd.s32 $0xFFFFD800;
	s29 =	smov.u32 s26;
	s30 =	sadd.s32 $0x280, s26  }
0x5d: {  	[tilespmem:s21], [sflag:$0x2] =	stream.indirect.gather [hbm4b:s4+s20], $0x80, s28, s20, $0xb8;
	[tilespmem:$0x1DF00] =	vst v63  }
0x5e: {  	p0 =	sne.s32 s26, $0x9880;
	_ =	swait.ge [sflag:s22], $0x2800  }
0x5f: {  	[sflag:s22] =	ssyncset.done $0x0  }
0x60: {  	s26 =	sadd.s32 $0x2780, s25;
	[sflag:s22] =	ssyncadd.s32 $0xFFFFD800  }
0x61: {  	[spmem:s2] =	stream.indirect.scatter.add.f32 [tilespmem:s17], [sflag:$0x3], $0x80, s26, s20, $0xb8;
	[tilespmem:$0x1DF00] =	vst v63  }
0x62: {  	_ =	swait.ge [sflag:s18], $0x2800  }
0x63: {  	[sflag:s18] =	ssyncset.done $0x0  }
0x64: {  	s26 =	sadd.s32 $0xA0, s25;
	[sflag:s18] =	ssyncadd.s32 $0xFFFFD800  }
0x65: {  	[tilespmem:s17], [sflag:$0x1] =	stream.indirect.gather [hbm4b:s4+s20], $0x80, s26, s20, $0xb8;
	[tilespmem:$0x1DF00] =	vst v63  }
0x66: {  	_ =	swait.ge [sflag:s23], $0x2800  }
.Ltmp1:
0x67: {  	[sflag:s23] =	ssyncset.done $0x0;
	(pc) =	sbr.rel @p0 .LBB2_4-.Ltmp1, $4  }
0x68: {  	s25 =	sadd.s32 $0x27D0, s25;
	[sflag:s23] =	ssyncadd.s32 $0xFFFFD800  }
0x69: {  	[spmem:s2] =	stream.indirect.scatter.add.f32 [tilespmem:s21], [sflag:$0x3], $0x80, s25, s20, $0xb8;
	[tilespmem:$0x1DF00] =	vst v63  }
0x6a: {  	_ =	swait.ge [sflag:s18], $0x2800  }
0x6b: {  	s26 =	smov.u32 s30;
	s25 =	sshra.s32 s29, $0x2;
	[sflag:s18] =	ssyncset.done $0x0  }
0x6c: {  	s26 =	sadd.s32 $0x50, s25;
	[sflag:s18] =	ssyncadd.s32 $0xFFFFD800  }
0x6d: {  	[tilespmem:s21], [sflag:$0x2] =	stream.indirect.gather [hbm4b:s4+s20], $0x80, s26, s20, $0xb8;
	[tilespmem:$0x1DF00] =	vst v63  }
0x6e: {  	_ =	swait.ge [sflag:s22], $0x2800  }
0x6f: {  	[sflag:s22] =	ssyncset.done $0x0  }
0x70: {  	s31 =	sadd.s32 $0x2780, s25;
	[sflag:s22] =	ssyncadd.s32 $0xFFFFD800  }
0x71: {  	[spmem:s2] =	stream.indirect.scatter.add.f32 [tilespmem:s17], [sflag:$0x3], $0x80, s31, s20, $0xb8;
	[tilespmem:$0x1DF00] =	vst v63  }
0x72: {  	_ =	swait.ge [sflag:s18], $0x2800  }
0x73: {  	[sflag:s18] =	ssyncset.done $0x0  }
0x74: {  	s28 =	sadd.s32 $0xA0, s25;
	[sflag:s18] =	ssyncadd.s32 $0xFFFFD800  }
0x75: {  	[tilespmem:s17], [sflag:$0x1] =	stream.indirect.gather [hbm4b:s4+s20], $0x80, s28, s20, $0xb8;
	[tilespmem:$0x1DF00] =	vst v63  }
0x76: {  	_ =	swait.ge [sflag:s23], $0x2800  }
0x77: {  	[sflag:s23] =	ssyncset.done $0x0  }
0x78: {  	s29 =	sadd.s32 $0x27D0, s25;
	[sflag:s23] =	ssyncadd.s32 $0xFFFFD800  }
0x79: {  	[spmem:s2] =	stream.indirect.scatter.add.f32 [tilespmem:s21], [sflag:$0x3], $0x80, s29, s20, $0xb8;
	[tilespmem:$0x1DF00] =	vst v63  }
0x7a: {  	_ =	swait.ge [sflag:s18], $0x2800  }
0x7b: {  	[sflag:s18] =	ssyncset.done $0x0  }
0x7c: {  	[sflag:s18] =	ssyncadd.s32 $0xFFFFD800  }
0x7d: {  	_ =	swait.ge [sflag:s22], $0x2800  }
0x7e: {  	[sflag:s22] =	ssyncset.done $0x0  }
0x7f: {  	[sflag:s22] =	ssyncadd.s32 $0xFFFFD800  }
0x80: {  	[spmem:s2] =	stream.indirect.scatter.add.f32 [tilespmem:s17], [sflag:$0x3], $0x80, s24, s20, $0xb8;
	[tilespmem:$0x1DF00] =	vst v63  }
0x81: {  	_ =	swait.ge [sflag:s18], $0x2800  }
0x82: {  	s30 =	sshll.u32 s0, $0x6;
	s3 =	sadd.s32 $0x1, s3;
	[sflag:s18] =	ssyncset.done $0x0  }
0x83: {  	s25 =	sor.u32 $0x1C03, s30;
	p0 =	sne.s32 s3, s16;
	[sflag:s18] =	ssyncadd.s32 $0xFFFFD800  }
.Ltmp2:
0x84: {  	s31 =	sshrl.u32 s5, $0x3;
	[bflag:$0x0] =	sbarrier.arrive $0xFFFF;
	(pc) =	sbr.rel @p0 .LBB2_1-.Ltmp2, $4  }
0x85: {  	[hbm:s15], [sflag:s25] =	dma.local [spmem:s31], $0x2800  }
0x86: {  	_ =	swait.ge [sflag:s18], $0x2800  }
0x87: {  	[sflag:s18] =	ssyncset.done $0x0  }
0x88: {  	[sflag:s18] =	ssyncadd.s32 $0xFFFFD800  }
0x89: {  	_ =	sfence.sel $0x180000  }
0x8a: {  	[bflag:$0x0] =	sbarrier.arrive $0xFFFF  }
0x8b: {  	p0 =	sne.s32 s0, $0x0;
	_ =	strace $0x9000004A  }
0x8c: {  	s0 =	sadd.s32 @!p0 $0x100000, s1;
	[bflag:$0x2] =	sbarrier.arrive $0xFFFF  }
0x8d: {  	[sflag:s0] =	ssyncadd.tile.s32 @!p0 $0x1;
	_ =	shalt  }
.Lfunc_end2:
_tile_overlayer_lowered:
.L_overlay_start_2:
0x8e: {  	(tag) =	ssettag $0x2  }
0x8f: {  	s0 =	rddreg [dreg:$0x0];
	s2 =	stileid.u32  }
0x90: {  	s1 =	rddreg [dreg:$0x1];
	p0 =	sne.s32 s2, $0x0  }
0x91: {  	s3 =	rddreg [dreg:$0x2];
	[bflag:$0x3] =	sbarrier.arrive $0xFFFF;
	s2 =	simm.s32 @!p0 $0x1C03  }
0x92: {  	[timem:s3], [sflag:s2] =	dma.local @!p0 [hbm:s0], s1  }
0x93: {  	s0 =	simm.s32 @!p0 $0x3  }
0x94: {  	_ =	swait.ge @!p0 [sflag:s0], s1  }
0x95: {  	s1 =	ssub.s32 @!p0 $0x0, s1;
	[sflag:s0] =	ssyncset.done @!p0 $0x0  }
0x96: {  	[sflag:s0] =	ssyncadd.s32 @!p0 s1  }
0x97: {  	[bflag:$0x3] =	sbarrier.arrive $0xFFFF  }
0x98: {  	_ =	shalt  }

</sc_bundles>
